<compile_context>
chip_gen: v7x
topology: tpu7x:2x2x1
jax: 0.10.2.dev20260603
libtpu: 0.0.44.dev20260713+nightly
codegen_flags: <defaults>
</compile_context>

<pallas_src>
import jax
import jax.numpy as jnp
from jax import lax
from jax.experimental import pallas as pl
from jax.experimental.pallas import tpu as pltpu
from jax.experimental.pallas import tpu_sc as plsc

_B = 16384
_D_NUM = 13
_N_CAT = 26
_D_TOKEN = 128
_NW = 32
_RPW = _B // _NW
_R = 128
_NCHUNK = _RPW // _R
_LANES = 8


def _sc_body(xnum_hbm, xcatt_hbm, emb_hbm, w_hbm, b_hbm, offs_hbm, out_hbm,
             w_v, b_v, offs_v, xnum_v, idx_v, gath_v, col_v, sem):
    cid = lax.axis_index("c")
    sid = lax.axis_index("s")
    wid = sid * 2 + cid
    row0w = wid * _RPW

    pltpu.sync_copy(w_hbm, w_v)
    pltpu.sync_copy(b_hbm, b_v)
    pltpu.sync_copy(offs_hbm, offs_v)

    @pl.loop(0, _NCHUNK)
    def _chunk(ch):
        row0 = row0w + ch * _R

        @pl.loop(0, _D_NUM)
        def _num_col(d):
            pltpu.sync_copy(xnum_hbm.at[d, pl.ds(row0, _R)],
                            xnum_v.at[pl.ds(0, _R)])

            @pl.loop(0, _R)
            def _num_row(r):
                xs = xnum_v[pl.ds(r, 16)][0]
                for c in range(_LANES):
                    col_v[r, 0, pl.ds(16 * c, 16)] = (
                        xs * w_v[d, pl.ds(16 * c, 16)]
                        + b_v[d, pl.ds(16 * c, 16)])
            pltpu.sync_copy(col_v, out_hbm.at[pl.ds(row0, _R), pl.ds(d, 1), :])

        @pl.loop(0, _N_CAT)
        def _cat_col(j):
            pltpu.sync_copy(xcatt_hbm.at[j, pl.ds(row0, _R)], idx_v)
            off = offs_v[pl.ds(j, 16)][0]
            for c in range(_LANES):
                idx_v[pl.ds(16 * c, 16)] = idx_v[pl.ds(16 * c, 16)] + off
            pltpu.async_copy(emb_hbm.at[idx_v], gath_v, sem).wait()

            @pl.loop(0, _R)
            def _cat_row(r):
                for c in range(_LANES):
                    col_v[r, 0, pl.ds(16 * c, 16)] = (
                        gath_v[r, pl.ds(16 * c, 16)]
                        + b_v[13 + j, pl.ds(16 * c, 16)])
            pltpu.sync_copy(col_v,
                            out_hbm.at[pl.ds(row0, _R), pl.ds(13 + j, 1), :])


def kernel(x_num, x_cat, emb_table, weight, bias, category_offsets):
    x_num_t = x_num.T
    x_cat_t = x_cat.T
    offs_pad = jnp.zeros((48,), jnp.int32).at[:_N_CAT].set(category_offsets)
    mesh = plsc.VectorSubcoreMesh(core_axis_name="c", subcore_axis_name="s")
    f = pl.kernel(
        _sc_body,
        out_type=jax.ShapeDtypeStruct((_B, _D_NUM + _N_CAT, _D_TOKEN),
                                      jnp.float32),
        mesh=mesh,
        scratch_types=[
            pltpu.VMEM((_D_NUM, _D_TOKEN), jnp.float32),
            pltpu.VMEM((_D_NUM + _N_CAT, _D_TOKEN), jnp.float32),
            pltpu.VMEM((48,), jnp.int32),
            pltpu.VMEM((_R + 16,), jnp.float32),
            pltpu.VMEM((_R,), jnp.int32),
            pltpu.VMEM((_R, _D_TOKEN), jnp.float32),
            pltpu.VMEM((_R, 1, _D_TOKEN), jnp.float32),
            pltpu.SemaphoreType.DMA,
        ],
    )
    return f(x_num_t, x_cat_t, emb_table, weight, bias, offs_pad)

# --- scband reference (transcript-rebuilt; emitter-appended) ---
"""Pipeline reference for scband-tabular-tokenizer-45518063403175 (READ-ONLY COPY).

The authoritative reference and input builder live on the scoring server;
editing this copy changes nothing except your own understanding.
"""

import jax, jax.numpy as jnp
import numpy as np

B = 16384
D_NUM = 13
N_CAT = 26
CAT_SIZE = 10000
D_TOKEN = 128


def setup_inputs(seed: int = 0) -> dict:
    key = jax.random.key(seed)
    k1, k2, k3, k4, k5 = jax.random.split(key, 5)
    x_num = jax.random.normal(k1, (B, D_NUM), dtype=jnp.float32)
    x_cat = jax.random.randint(k2, (B, N_CAT), 0, CAT_SIZE, dtype=jnp.int32)
    categories = [CAT_SIZE] * N_CAT
    category_offsets = jnp.asarray(np.cumsum([0] + categories[:-1]), dtype=jnp.int32)
    total_cat = sum(categories)
    # kaiming_uniform-like init: bound = sqrt(6/((1+5)*fan_in)) with fan_in = d_token
    bound = float(np.sqrt(6.0 / (6.0 * D_TOKEN)))
    emb_table = jax.random.uniform(k3, (total_cat, D_TOKEN), minval=-bound, maxval=bound, dtype=jnp.float32)
    weight = jax.random.uniform(k4, (D_NUM, D_TOKEN), minval=-bound, maxval=bound, dtype=jnp.float32)
    bias = jax.random.uniform(k5, (D_NUM + N_CAT, D_TOKEN), minval=-bound, maxval=bound, dtype=jnp.float32)
    return {
        "x_num": x_num,
        "x_cat": x_cat,
        "emb_table": emb_table,
        "weight": weight,
        "bias": bias,
        "category_offsets": category_offsets,
    }


def reference(x_num, x_cat, emb_table, weight, bias, category_offsets):
    # x = self.weight[None] * x_num[:, :, None]
    x = weight[None] * x_num[:, :, None]  # [B, D_NUM, D_TOKEN]
    # cat_embeddings = self.category_embeddings(x_cat + self.category_offsets[None])
    idx = x_cat + category_offsets[None]  # [B, N_CAT]
    cat_embeddings = jnp.take(emb_table, idx, axis=0)  # [B, N_CAT, D_TOKEN]
    x = jnp.concatenate([x, cat_embeddings], axis=1)  # [B, D_NUM + N_CAT, D_TOKEN]
    x = x + bias[None]
    return x

if __name__ == "__main__":
    import jax
    _d = setup_inputs()
    print(jax.jit(kernel)(*tuple(_d.values())))

</pallas_src>

<mosaic_0001>
#map = affine_map<(d0, d1) -> (0, 0)>
#map1 = affine_map<(d0, d1) -> (0)>
#map2 = affine_map<(d0, d1) -> (0, 0, 0)>
module attributes {stable_mosaic.version = 14 : i64} {
  func.func @_sc_body(%arg0: i32, %arg1: i32, %arg2: memref<13x16384xf32, #tpu.memory_space<hbm>>, %arg3: memref<26x16384xi32, #tpu.memory_space<hbm>>, %arg4: memref<260000x128xf32, #tpu.memory_space<hbm>>, %arg5: memref<13x128xf32, #tpu.memory_space<hbm>>, %arg6: memref<39x128xf32, #tpu.memory_space<hbm>>, %arg7: memref<48xi32, #tpu.memory_space<hbm>>, %arg8: memref<16384x39x128xf32, #tpu.memory_space<hbm>>, %arg9: memref<13x128xf32, #tpu.memory_space<vmem>>, %arg10: memref<39x128xf32, #tpu.memory_space<vmem>>, %arg11: memref<48xi32, #tpu.memory_space<vmem>>, %arg12: memref<144xf32, #tpu.memory_space<vmem>>, %arg13: memref<128xi32, #tpu.memory_space<vmem>>, %arg14: memref<128x128xf32, #tpu.memory_space<vmem>>, %arg15: memref<128x1x128xf32, #tpu.memory_space<vmem>>, %arg16: memref<!tpu.dma_semaphore, #tpu.memory_space<semaphore_mem>>) attributes {dimension_semantics = [#tpu.dimension_semantics<core_parallel>, #tpu.dimension_semantics<subcore_parallel>], iteration_bounds = array<i64: 2, 16>, scalar_prefetch = 0 : i64, scratch_operands = 8 : i64, tpu.core_type = #tpu.core_type<sc_vector_subcore>, window_params = [{transform_indices = #map}, {transform_indices = #map}, {transform_indices = #map}, {transform_indices = #map}, {transform_indices = #map}, {transform_indices = #map1}, {transform_indices = #map2}]} {
    %mul3A = arith.constant 2 : i32
    %mul3A_0 = arith.muli %arg1, %mul3A : i32
    %add3A = arith.addi %mul3A_0, %arg0 : i32
    %mul3A_1 = arith.constant 512 : i32
    %mul3A_2 = arith.muli %add3A, %mul3A_1 : i32
    "tpu.region"() ({
      %run_scoped3A = tpu.sem_alloc : memref<!tpu.dma_semaphore, #tpu.memory_space<semaphore_mem>>
      tpu.enqueue_dma source(%arg5 : memref<13x128xf32, #tpu.memory_space<hbm>>) target(%arg9 : memref<13x128xf32, #tpu.memory_space<vmem>>) target_semaphore(%run_scoped3A : memref<!tpu.dma_semaphore, #tpu.memory_space<semaphore_mem>>)
      tpu.wait_dma2 semaphore(%run_scoped3A : memref<!tpu.dma_semaphore, #tpu.memory_space<semaphore_mem>>) src(%arg5 : memref<13x128xf32, #tpu.memory_space<hbm>>) dst(%arg9 : memref<13x128xf32, #tpu.memory_space<vmem>>)
      tpu.yield
    }) : () -> ()
    "tpu.region"() ({
      %run_scoped3A = tpu.sem_alloc : memref<!tpu.dma_semaphore, #tpu.memory_space<semaphore_mem>>
      tpu.enqueue_dma source(%arg6 : memref<39x128xf32, #tpu.memory_space<hbm>>) target(%arg10 : memref<39x128xf32, #tpu.memory_space<vmem>>) target_semaphore(%run_scoped3A : memref<!tpu.dma_semaphore, #tpu.memory_space<semaphore_mem>>)
      tpu.wait_dma2 semaphore(%run_scoped3A : memref<!tpu.dma_semaphore, #tpu.memory_space<semaphore_mem>>) src(%arg6 : memref<39x128xf32, #tpu.memory_space<hbm>>) dst(%arg10 : memref<39x128xf32, #tpu.memory_space<vmem>>)
      tpu.yield
    }) : () -> ()
    "tpu.region"() ({
      %run_scoped3A = tpu.sem_alloc : memref<!tpu.dma_semaphore, #tpu.memory_space<semaphore_mem>>
      tpu.enqueue_dma source(%arg7 : memref<48xi32, #tpu.memory_space<hbm>>) target(%arg11 : memref<48xi32, #tpu.memory_space<vmem>>) target_semaphore(%run_scoped3A : memref<!tpu.dma_semaphore, #tpu.memory_space<semaphore_mem>>)
      tpu.wait_dma2 semaphore(%run_scoped3A : memref<!tpu.dma_semaphore, #tpu.memory_space<semaphore_mem>>) src(%arg7 : memref<48xi32, #tpu.memory_space<hbm>>) dst(%arg11 : memref<48xi32, #tpu.memory_space<vmem>>)
      tpu.yield
    }) : () -> ()
    %scan3A = arith.constant 0 : i32
    %scan3A_3 = arith.constant 4 : i32
    %scan3A_4 = arith.addi %scan3A, %scan3A_3 : i32
    %scan3A_5 = arith.constant 1 : i32
    scf.for %scan3A_7 = %scan3A to %scan3A_4 step %scan3A_5  : i32 {
      %mul3A_8 = arith.constant 1 : i32
      %mul3A_9 = arith.muli %scan3A_7, %mul3A_8 : i32
      %add3A_10 = arith.constant 0 : i32
      %add3A_11 = arith.addi %add3A_10, %mul3A_9 : i32
      %mul3A_12 = arith.constant 128 : i32
      %mul3A_13 = arith.muli %add3A_11, %mul3A_12 : i32
      %add3A_14 = arith.addi %mul3A_2, %mul3A_13 : i32
      %scan3A_15 = arith.constant 0 : i32
      %scan3A_16 = arith.constant 13 : i32
      %scan3A_17 = arith.addi %scan3A_15, %scan3A_16 : i32
      %scan3A_18 = arith.constant 1 : i32
      scf.for %scan3A_25 = %scan3A_15 to %scan3A_17 step %scan3A_18  : i32 {
        %mul3A_26 = arith.constant 1 : i32
        %mul3A_27 = arith.muli %scan3A_25, %mul3A_26 : i32
        %add3A_28 = arith.constant 0 : i32
        %add3A_29 = arith.addi %add3A_28, %mul3A_27 : i32
        "tpu.region"() ({
          %run_scoped3A = tpu.sem_alloc : memref<!tpu.dma_semaphore, #tpu.memory_space<semaphore_mem>>
          %dma_start3A = arith.constant 0 : i32
          %dma_start3A_35 = tpu.memref_slice %arg12[%dma_start3A] : memref<144xf32, #tpu.memory_space<vmem>> -> memref<128xf32, #tpu.memory_space<vmem>>
          %dma_start3A_36 = tpu.memref_slice %arg2[%add3A_29, %add3A_14] : memref<13x16384xf32, #tpu.memory_space<hbm>> -> memref<1x128xf32, #tpu.memory_space<hbm>>
          %dma_start3A_37 = tpu.memref_squeeze %dma_start3A_36 : memref<1x128xf32, #tpu.memory_space<hbm>> -> memref<128xf32, #tpu.memory_space<hbm>>
          %dma_start3A_38 = arith.constant 0 : i32
          %dma_start3A_39 = tpu.memref_slice %arg12[%dma_start3A_38] : memref<144xf32, #tpu.memory_space<vmem>> -> memref<128xf32, #tpu.memory_space<vmem>>
          %dma_start3A_40 = tpu.memref_slice %arg2[%add3A_29, %add3A_14] : memref<13x16384xf32, #tpu.memory_space<hbm>> -> memref<1x128xf32, #tpu.memory_space<hbm>>
          %dma_start3A_41 = tpu.memref_squeeze %dma_start3A_40 : memref<1x128xf32, #tpu.memory_space<hbm>> -> memref<128xf32, #tpu.memory_space<hbm>>
          tpu.enqueue_dma source(%dma_start3A_41 : memref<128xf32, #tpu.memory_space<hbm>>) target(%dma_start3A_39 : memref<128xf32, #tpu.memory_space<vmem>>) target_semaphore(%run_scoped3A : memref<!tpu.dma_semaphore, #tpu.memory_space<semaphore_mem>>)
          %dma_wait3A = arith.constant 0 : i32
          %dma_wait3A_42 = tpu.memref_slice %arg12[%dma_wait3A] : memref<144xf32, #tpu.memory_space<vmem>> -> memref<128xf32, #tpu.memory_space<vmem>>
          %dma_wait3A_43 = tpu.memref_slice %arg2[%add3A_29, %add3A_14] : memref<13x16384xf32, #tpu.memory_space<hbm>> -> memref<1x128xf32, #tpu.memory_space<hbm>>
          %dma_wait3A_44 = tpu.memref_squeeze %dma_wait3A_43 : memref<1x128xf32, #tpu.memory_space<hbm>> -> memref<128xf32, #tpu.memory_space<hbm>>
          %dma_wait3A_45 = arith.constant 0 : i32
          %dma_wait3A_46 = tpu.memref_slice %arg12[%dma_wait3A_45] : memref<144xf32, #tpu.memory_space<vmem>> -> memref<128xf32, #tpu.memory_space<vmem>>
          %dma_wait3A_47 = tpu.memref_slice %arg2[%add3A_29, %add3A_14] : memref<13x16384xf32, #tpu.memory_space<hbm>> -> memref<1x128xf32, #tpu.memory_space<hbm>>
          %dma_wait3A_48 = tpu.memref_squeeze %dma_wait3A_47 : memref<1x128xf32, #tpu.memory_space<hbm>> -> memref<128xf32, #tpu.memory_space<hbm>>
          tpu.wait_dma2 semaphore(%run_scoped3A : memref<!tpu.dma_semaphore, #tpu.memory_space<semaphore_mem>>) src(%dma_wait3A_48 : memref<128xf32, #tpu.memory_space<hbm>>) dst(%dma_wait3A_46 : memref<128xf32, #tpu.memory_space<vmem>>)
          tpu.yield
        }) : () -> ()
        %scan3A_30 = arith.constant 0 : i32
        %scan3A_31 = arith.constant 128 : i32
        %scan3A_32 = arith.addi %scan3A_30, %scan3A_31 : i32
        %scan3A_33 = arith.constant 1 : i32
        scf.for %scan3A_35 = %scan3A_30 to %scan3A_32 step %scan3A_33  : i32 {
          %mul3A_36 = arith.constant 1 : i32
          %mul3A_37 = arith.muli %scan3A_35, %mul3A_36 : i32
          %add3A_38 = arith.constant 0 : i32
          %add3A_39 = arith.addi %add3A_38, %mul3A_37 : i32
          %get3A = arith.index_cast %add3A_39 : i32 to index
          %get3A_40 = tpu.vector_load %arg12[%get3A] {strides = array<i32>} : memref<144xf32, #tpu.memory_space<vmem>>, vector<16xf32>,
          %get3A_41 = vector.shape_cast %get3A_40 : vector<16xf32> to vector<16xf32>
          %slice3A = vector.extract_strided_slice %get3A_41 {offsets = [0], sizes = [1], strides = [1]} : vector<16xf32> to vector<1xf32>
          %squeeze3A = vector.extract %slice3A[0] : f32 from vector<1xf32>
          %get3A_42 = arith.index_cast %add3A_29 : i32 to index
          %get3A_43 = arith.constant 0 : index
          %get3A_44 = tpu.vector_load %arg9[%get3A_42, %get3A_43] {strides = array<i32>} : memref<13x128xf32, #tpu.memory_space<vmem>>, vector<1x16xf32>,
          %get3A_45 = vector.shape_cast %get3A_44 : vector<1x16xf32> to vector<16xf32>
          %mul3A_46 = vector.broadcast %squeeze3A : f32 to vector<16xf32>
          %mul3A_47 = arith.mulf %mul3A_46, %get3A_45 : vector<16xf32>
          %get3A_48 = arith.index_cast %add3A_29 : i32 to index
          %get3A_49 = arith.constant 0 : index
          %get3A_50 = tpu.vector_load %arg10[%get3A_48, %get3A_49] {strides = array<i32>} : memref<39x128xf32, #tpu.memory_space<vmem>>, vector<1x16xf32>,
          %get3A_51 = vector.shape_cast %get3A_50 : vector<1x16xf32> to vector<16xf32>
          %add3A_52 = arith.addf %mul3A_47, %get3A_51 : vector<16xf32>
          %swap3A = arith.constant 0 : i32
          %swap3A_53 = arith.index_cast %add3A_39 : i32 to index
          %swap3A_54 = arith.index_cast %swap3A : i32 to index
          %swap3A_55 = arith.constant 0 : index
          %swap3A_56 = tpu.vector_load %arg15[%swap3A_53, %swap3A_54, %swap3A_55] {strides = array<i32>} : memref<128x1x128xf32, #tpu.memory_space<vmem>>, vector<1x1x16xf32>,
          %swap3A_57 = vector.shape_cast %swap3A_56 : vector<1x1x16xf32> to vector<16xf32>
          %swap3A_58 = vector.shape_cast %add3A_52 : vector<16xf32> to vector<1x1x16xf32>
          tpu.vector_store %arg15[%swap3A_53, %swap3A_54, %swap3A_55], %swap3A_58 {strides = array<i32>} : memref<128x1x128xf32, #tpu.memory_space<vmem>>, vector<1x1x16xf32>,
          %get3A_59 = arith.index_cast %add3A_29 : i32 to index
          %get3A_60 = arith.constant 16 : index
          %get3A_61 = tpu.vector_load %arg9[%get3A_59, %get3A_60] {strides = array<i32>} : memref<13x128xf32, #tpu.memory_space<vmem>>, vector<1x16xf32>,
          %get3A_62 = vector.shape_cast %get3A_61 : vector<1x16xf32> to vector<16xf32>
          %mul3A_63 = vector.broadcast %squeeze3A : f32 to vector<16xf32>
          %mul3A_64 = arith.mulf %mul3A_63, %get3A_62 : vector<16xf32>
          %get3A_65 = arith.index_cast %add3A_29 : i32 to index
          %get3A_66 = arith.constant 16 : index
          %get3A_67 = tpu.vector_load %arg10[%get3A_65, %get3A_66] {strides = array<i32>} : memref<39x128xf32, #tpu.memory_space<vmem>>, vector<1x16xf32>,
          %get3A_68 = vector.shape_cast %get3A_67 : vector<1x16xf32> to vector<16xf32>
          %add3A_69 = arith.addf %mul3A_64, %get3A_68 : vector<16xf32>
          %swap3A_70 = arith.constant 0 : i32
          %swap3A_71 = arith.index_cast %add3A_39 : i32 to index
          %swap3A_72 = arith.index_cast %swap3A_70 : i32 to index
          %swap3A_73 = arith.constant 16 : index
          %swap3A_74 = tpu.vector_load %arg15[%swap3A_71, %swap3A_72, %swap3A_73] {strides = array<i32>} : memref<128x1x128xf32, #tpu.memory_space<vmem>>, vector<1x1x16xf32>,
          %swap3A_75 = vector.shape_cast %swap3A_74 : vector<1x1x16xf32> to vector<16xf32>
          %swap3A_76 = vector.shape_cast %add3A_69 : vector<16xf32> to vector<1x1x16xf32>
          tpu.vector_store %arg15[%swap3A_71, %swap3A_72, %swap3A_73], %swap3A_76 {strides = array<i32>} : memref<128x1x128xf32, #tpu.memory_space<vmem>>, vector<1x1x16xf32>,
          %get3A_77 = arith.index_cast %add3A_29 : i32 to index
          %get3A_78 = arith.constant 32 : index
          %get3A_79 = tpu.vector_load %arg9[%get3A_77, %get3A_78] {strides = array<i32>} : memref<13x128xf32, #tpu.memory_space<vmem>>, vector<1x16xf32>,
          %get3A_80 = vector.shape_cast %get3A_79 : vector<1x16xf32> to vector<16xf32>
          %mul3A_81 = vector.broadcast %squeeze3A : f32 to vector<16xf32>
          %mul3A_82 = arith.mulf %mul3A_81, %get3A_80 : vector<16xf32>
          %get3A_83 = arith.index_cast %add3A_29 : i32 to index
          %get3A_84 = arith.constant 32 : index
          %get3A_85 = tpu.vector_load %arg10[%get3A_83, %get3A_84] {strides = array<i32>} : memref<39x128xf32, #tpu.memory_space<vmem>>, vector<1x16xf32>,
          %get3A_86 = vector.shape_cast %get3A_85 : vector<1x16xf32> to vector<16xf32>
          %add3A_87 = arith.addf %mul3A_82, %get3A_86 : vector<16xf32>
          %swap3A_88 = arith.constant 0 : i32
          %swap3A_89 = arith.index_cast %add3A_39 : i32 to index
          %swap3A_90 = arith.index_cast %swap3A_88 : i32 to index
          %swap3A_91 = arith.constant 32 : index
          %swap3A_92 = tpu.vector_load %arg15[%swap3A_89, %swap3A_90, %swap3A_91] {strides = array<i32>} : memref<128x1x128xf32, #tpu.memory_space<vmem>>, vector<1x1x16xf32>,
          %swap3A_93 = vector.shape_cast %swap3A_92 : vector<1x1x16xf32> to vector<16xf32>
          %swap3A_94 = vector.shape_cast %add3A_87 : vector<16xf32> to vector<1x1x16xf32>
          tpu.vector_store %arg15[%swap3A_89, %swap3A_90, %swap3A_91], %swap3A_94 {strides = array<i32>} : memref<128x1x128xf32, #tpu.memory_space<vmem>>, vector<1x1x16xf32>,
          %get3A_95 = arith.index_cast %add3A_29 : i32 to index
          %get3A_96 = arith.constant 48 : index
          %get3A_97 = tpu.vector_load %arg9[%get3A_95, %get3A_96] {strides = array<i32>} : memref<13x128xf32, #tpu.memory_space<vmem>>, vector<1x16xf32>,
          %get3A_98 = vector.shape_cast %get3A_97 : vector<1x16xf32> to vector<16xf32>
          %mul3A_99 = vector.broadcast %squeeze3A : f32 to vector<16xf32>
          %mul3A_100 = arith.mulf %mul3A_99, %get3A_98 : vector<16xf32>
          %get3A_101 = arith.index_cast %add3A_29 : i32 to index
          %get3A_102 = arith.constant 48 : index
          %get3A_103 = tpu.vector_load %arg10[%get3A_101, %get3A_102] {strides = array<i32>} : memref<39x128xf32, #tpu.memory_space<vmem>>, vector<1x16xf32>,
          %get3A_104 = vector.shape_cast %get3A_103 : vector<1x16xf32> to vector<16xf32>
          %add3A_105 = arith.addf %mul3A_100, %get3A_104 : vector<16xf32>
          %swap3A_106 = arith.constant 0 : i32
          %swap3A_107 = arith.index_cast %add3A_39 : i32 to index
          %swap3A_108 = arith.index_cast %swap3A_106 : i32 to index
          %swap3A_109 = arith.constant 48 : index
          %swap3A_110 = tpu.vector_load %arg15[%swap3A_107, %swap3A_108, %swap3A_109] {strides = array<i32>} : memref<128x1x128xf32, #tpu.memory_space<vmem>>, vector<1x1x16xf32>,
          %swap3A_111 = vector.shape_cast %swap3A_110 : vector<1x1x16xf32> to vector<16xf32>
          %swap3A_112 = vector.shape_cast %add3A_105 : vector<16xf32> to vector<1x1x16xf32>
          tpu.vector_store %arg15[%swap3A_107, %swap3A_108, %swap3A_109], %swap3A_112 {strides = array<i32>} : memref<128x1x128xf32, #tpu.memory_space<vmem>>, vector<1x1x16xf32>,
          %get3A_113 = arith.index_cast %add3A_29 : i32 to index
          %get3A_114 = arith.constant 64 : index
          %get3A_115 = tpu.vector_load %arg9[%get3A_113, %get3A_114] {strides = array<i32>} : memref<13x128xf32, #tpu.memory_space<vmem>>, vector<1x16xf32>,
          %get3A_116 = vector.shape_cast %get3A_115 : vector<1x16xf32> to vector<16xf32>
          %mul3A_117 = vector.broadcast %squeeze3A : f32 to vector<16xf32>
          %mul3A_118 = arith.mulf %mul3A_117, %get3A_116 : vector<16xf32>
          %get3A_119 = arith.index_cast %add3A_29 : i32 to index
          %get3A_120 = arith.constant 64 : index
          %get3A_121 = tpu.vector_load %arg10[%get3A_119, %get3A_120] {strides = array<i32>} : memref<39x128xf32, #tpu.memory_space<vmem>>, vector<1x16xf32>,
          %get3A_122 = vector.shape_cast %get3A_121 : vector<1x16xf32> to vector<16xf32>
          %add3A_123 = arith.addf %mul3A_118, %get3A_122 : vector<16xf32>
          %swap3A_124 = arith.constant 0 : i32
          %swap3A_125 = arith.index_cast %add3A_39 : i32 to index
          %swap3A_126 = arith.index_cast %swap3A_124 : i32 to index
          %swap3A_127 = arith.constant 64 : index
          %swap3A_128 = tpu.vector_load %arg15[%swap3A_125, %swap3A_126, %swap3A_127] {strides = array<i32>} : memref<128x1x128xf32, #tpu.memory_space<vmem>>, vector<1x1x16xf32>,
          %swap3A_129 = vector.shape_cast %swap3A_128 : vector<1x1x16xf32> to vector<16xf32>
          %swap3A_130 = vector.shape_cast %add3A_123 : vector<16xf32> to vector<1x1x16xf32>
          tpu.vector_store %arg15[%swap3A_125, %swap3A_126, %swap3A_127], %swap3A_130 {strides = array<i32>} : memref<128x1x128xf32, #tpu.memory_space<vmem>>, vector<1x1x16xf32>,
          %get3A_131 = arith.index_cast %add3A_29 : i32 to index
          %get3A_132 = arith.constant 80 : index
          %get3A_133 = tpu.vector_load %arg9[%get3A_131, %get3A_132] {strides = array<i32>} : memref<13x128xf32, #tpu.memory_space<vmem>>, vector<1x16xf32>,
          %get3A_134 = vector.shape_cast %get3A_133 : vector<1x16xf32> to vector<16xf32>
          %mul3A_135 = vector.broadcast %squeeze3A : f32 to vector<16xf32>
          %mul3A_136 = arith.mulf %mul3A_135, %get3A_134 : vector<16xf32>
          %get3A_137 = arith.index_cast %add3A_29 : i32 to index
          %get3A_138 = arith.constant 80 : index
          %get3A_139 = tpu.vector_load %arg10[%get3A_137, %get3A_138] {strides = array<i32>} : memref<39x128xf32, #tpu.memory_space<vmem>>, vector<1x16xf32>,
          %get3A_140 = vector.shape_cast %get3A_139 : vector<1x16xf32> to vector<16xf32>
          %add3A_141 = arith.addf %mul3A_136, %get3A_140 : vector<16xf32>
          %swap3A_142 = arith.constant 0 : i32
          %swap3A_143 = arith.index_cast %add3A_39 : i32 to index
          %swap3A_144 = arith.index_cast %swap3A_142 : i32 to index
          %swap3A_145 = arith.constant 80 : index
          %swap3A_146 = tpu.vector_load %arg15[%swap3A_143, %swap3A_144, %swap3A_145] {strides = array<i32>} : memref<128x1x128xf32, #tpu.memory_space<vmem>>, vector<1x1x16xf32>,
          %swap3A_147 = vector.shape_cast %swap3A_146 : vector<1x1x16xf32> to vector<16xf32>
          %swap3A_148 = vector.shape_cast %add3A_141 : vector<16xf32> to vector<1x1x16xf32>
          tpu.vector_store %arg15[%swap3A_143, %swap3A_144, %swap3A_145], %swap3A_148 {strides = array<i32>} : memref<128x1x128xf32, #tpu.memory_space<vmem>>, vector<1x1x16xf32>,
          %get3A_149 = arith.index_cast %add3A_29 : i32 to index
          %get3A_150 = arith.constant 96 : index
          %get3A_151 = tpu.vector_load %arg9[%get3A_149, %get3A_150] {strides = array<i32>} : memref<13x128xf32, #tpu.memory_space<vmem>>, vector<1x16xf32>,
          %get3A_152 = vector.shape_cast %get3A_151 : vector<1x16xf32> to vector<16xf32>
          %mul3A_153 = vector.broadcast %squeeze3A : f32 to vector<16xf32>
          %mul3A_154 = arith.mulf %mul3A_153, %get3A_152 : vector<16xf32>
          %get3A_155 = arith.index_cast %add3A_29 : i32 to index
          %get3A_156 = arith.constant 96 : index
          %get3A_157 = tpu.vector_load %arg10[%get3A_155, %get3A_156] {strides = array<i32>} : memref<39x128xf32, #tpu.memory_space<vmem>>, vector<1x16xf32>,
          %get3A_158 = vector.shape_cast %get3A_157 : vector<1x16xf32> to vector<16xf32>
          %add3A_159 = arith.addf %mul3A_154, %get3A_158 : vector<16xf32>
          %swap3A_160 = arith.constant 0 : i32
          %swap3A_161 = arith.index_cast %add3A_39 : i32 to index
          %swap3A_162 = arith.index_cast %swap3A_160 : i32 to index
          %swap3A_163 = arith.constant 96 : index
          %swap3A_164 = tpu.vector_load %arg15[%swap3A_161, %swap3A_162, %swap3A_163] {strides = array<i32>} : memref<128x1x128xf32, #tpu.memory_space<vmem>>, vector<1x1x16xf32>,
          %swap3A_165 = vector.shape_cast %swap3A_164 : vector<1x1x16xf32> to vector<16xf32>
          %swap3A_166 = vector.shape_cast %add3A_159 : vector<16xf32> to vector<1x1x16xf32>
          tpu.vector_store %arg15[%swap3A_161, %swap3A_162, %swap3A_163], %swap3A_166 {strides = array<i32>} : memref<128x1x128xf32, #tpu.memory_space<vmem>>, vector<1x1x16xf32>,
          %get3A_167 = arith.index_cast %add3A_29 : i32 to index
          %get3A_168 = arith.constant 112 : index
          %get3A_169 = tpu.vector_load %arg9[%get3A_167, %get3A_168] {strides = array<i32>} : memref<13x128xf32, #tpu.memory_space<vmem>>, vector<1x16xf32>,
          %get3A_170 = vector.shape_cast %get3A_169 : vector<1x16xf32> to vector<16xf32>
          %mul3A_171 = vector.broadcast %squeeze3A : f32 to vector<16xf32>
          %mul3A_172 = arith.mulf %mul3A_171, %get3A_170 : vector<16xf32>
          %get3A_173 = arith.index_cast %add3A_29 : i32 to index
          %get3A_174 = arith.constant 112 : index
          %get3A_175 = tpu.vector_load %arg10[%get3A_173, %get3A_174] {strides = array<i32>} : memref<39x128xf32, #tpu.memory_space<vmem>>, vector<1x16xf32>,
          %get3A_176 = vector.shape_cast %get3A_175 : vector<1x16xf32> to vector<16xf32>
          %add3A_177 = arith.addf %mul3A_172, %get3A_176 : vector<16xf32>
          %swap3A_178 = arith.constant 0 : i32
          %swap3A_179 = arith.index_cast %add3A_39 : i32 to index
          %swap3A_180 = arith.index_cast %swap3A_178 : i32 to index
          %swap3A_181 = arith.constant 112 : index
          %swap3A_182 = tpu.vector_load %arg15[%swap3A_179, %swap3A_180, %swap3A_181] {strides = array<i32>} : memref<128x1x128xf32, #tpu.memory_space<vmem>>, vector<1x1x16xf32>,
          %swap3A_183 = vector.shape_cast %swap3A_182 : vector<1x1x16xf32> to vector<16xf32>
          %swap3A_184 = vector.shape_cast %add3A_177 : vector<16xf32> to vector<1x1x16xf32>
          tpu.vector_store %arg15[%swap3A_179, %swap3A_180, %swap3A_181], %swap3A_184 {strides = array<i32>} : memref<128x1x128xf32, #tpu.memory_space<vmem>>, vector<1x1x16xf32>,
        }
        %scan3A_34 = arith.constant 128 : i32
        "tpu.region"() ({
          %run_scoped3A = tpu.sem_alloc : memref<!tpu.dma_semaphore, #tpu.memory_space<semaphore_mem>>
          %dma_start3A = arith.constant 0 : i32
          %dma_start3A_35 = tpu.memref_slice %arg8[%add3A_14, %add3A_29, %dma_start3A] : memref<16384x39x128xf32, #tpu.memory_space<hbm>> -> memref<128x1x128xf32, #tpu.memory_space<hbm>>
          %dma_start3A_36 = arith.constant 0 : i32
          %dma_start3A_37 = tpu.memref_slice %arg8[%add3A_14, %add3A_29, %dma_start3A_36] : memref<16384x39x128xf32, #tpu.memory_space<hbm>> -> memref<128x1x128xf32, #tpu.memory_space<hbm>>
          tpu.enqueue_dma source(%arg15 : memref<128x1x128xf32, #tpu.memory_space<vmem>>) target(%dma_start3A_37 : memref<128x1x128xf32, #tpu.memory_space<hbm>>) target_semaphore(%run_scoped3A : memref<!tpu.dma_semaphore, #tpu.memory_space<semaphore_mem>>)
          %dma_wait3A = arith.constant 0 : i32
          %dma_wait3A_38 = tpu.memref_slice %arg8[%add3A_14, %add3A_29, %dma_wait3A] : memref<16384x39x128xf32, #tpu.memory_space<hbm>> -> memref<128x1x128xf32, #tpu.memory_space<hbm>>
          %dma_wait3A_39 = arith.constant 0 : i32
          %dma_wait3A_40 = tpu.memref_slice %arg8[%add3A_14, %add3A_29, %dma_wait3A_39] : memref<16384x39x128xf32, #tpu.memory_space<hbm>> -> memref<128x1x128xf32, #tpu.memory_space<hbm>>
          tpu.wait_dma2 semaphore(%run_scoped3A : memref<!tpu.dma_semaphore, #tpu.memory_space<semaphore_mem>>) src(%arg15 : memref<128x1x128xf32, #tpu.memory_space<vmem>>) dst(%dma_wait3A_40 : memref<128x1x128xf32, #tpu.memory_space<hbm>>)
          tpu.yield
        }) : () -> ()
      }
      %scan3A_19 = arith.constant 13 : i32
      %scan3A_20 = arith.constant 0 : i32
      %scan3A_21 = arith.constant 26 : i32
      %scan3A_22 = arith.addi %scan3A_20, %scan3A_21 : i32
      %scan3A_23 = arith.constant 1 : i32
      scf.for %scan3A_25 = %scan3A_20 to %scan3A_22 step %scan3A_23  : i32 {
        %mul3A_26 = arith.constant 1 : i32
        %mul3A_27 = arith.muli %scan3A_25, %mul3A_26 : i32
        %add3A_28 = arith.constant 0 : i32
        %add3A_29 = arith.addi %add3A_28, %mul3A_27 : i32
        "tpu.region"() ({
          %run_scoped3A = tpu.sem_alloc : memref<!tpu.dma_semaphore, #tpu.memory_space<semaphore_mem>>
          %dma_start3A_114 = tpu.memref_slice %arg3[%add3A_29, %add3A_14] : memref<26x16384xi32, #tpu.memory_space<hbm>> -> memref<1x128xi32, #tpu.memory_space<hbm>>
          %dma_start3A_115 = tpu.memref_squeeze %dma_start3A_114 : memref<1x128xi32, #tpu.memory_space<hbm>> -> memref<128xi32, #tpu.memory_space<hbm>>
          %dma_start3A_116 = tpu.memref_slice %arg3[%add3A_29, %add3A_14] : memref<26x16384xi32, #tpu.memory_space<hbm>> -> memref<1x128xi32, #tpu.memory_space<hbm>>
          %dma_start3A_117 = tpu.memref_squeeze %dma_start3A_116 : memref<1x128xi32, #tpu.memory_space<hbm>> -> memref<128xi32, #tpu.memory_space<hbm>>
          tpu.enqueue_dma source(%dma_start3A_117 : memref<128xi32, #tpu.memory_space<hbm>>) target(%arg13 : memref<128xi32, #tpu.memory_space<vmem>>) target_semaphore(%run_scoped3A : memref<!tpu.dma_semaphore, #tpu.memory_space<semaphore_mem>>)
          %dma_wait3A_118 = tpu.memref_slice %arg3[%add3A_29, %add3A_14] : memref<26x16384xi32, #tpu.memory_space<hbm>> -> memref<1x128xi32, #tpu.memory_space<hbm>>
          %dma_wait3A_119 = tpu.memref_squeeze %dma_wait3A_118 : memref<1x128xi32, #tpu.memory_space<hbm>> -> memref<128xi32, #tpu.memory_space<hbm>>
          %dma_wait3A_120 = tpu.memref_slice %arg3[%add3A_29, %add3A_14] : memref<26x16384xi32, #tpu.memory_space<hbm>> -> memref<1x128xi32, #tpu.memory_space<hbm>>
          %dma_wait3A_121 = tpu.memref_squeeze %dma_wait3A_120 : memref<1x128xi32, #tpu.memory_space<hbm>> -> memref<128xi32, #tpu.memory_space<hbm>>
          tpu.wait_dma2 semaphore(%run_scoped3A : memref<!tpu.dma_semaphore, #tpu.memory_space<semaphore_mem>>) src(%dma_wait3A_121 : memref<128xi32, #tpu.memory_space<hbm>>) dst(%arg13 : memref<128xi32, #tpu.memory_space<vmem>>)
          tpu.yield
        }) : () -> ()
        %get3A = arith.index_cast %add3A_29 : i32 to index
        %get3A_30 = tpu.vector_load %arg11[%get3A] {strides = array<i32>} : memref<48xi32, #tpu.memory_space<vmem>>, vector<16xi32>,
        %get3A_31 = vector.shape_cast %get3A_30 : vector<16xi32> to vector<16xi32>
        %slice3A = vector.extract_strided_slice %get3A_31 {offsets = [0], sizes = [1], strides = [1]} : vector<16xi32> to vector<1xi32>
        %squeeze3A = vector.extract %slice3A[0] : i32 from vector<1xi32>
        %get3A_32 = arith.constant 0 : index
        %get3A_33 = tpu.vector_load %arg13[%get3A_32] {strides = array<i32>} : memref<128xi32, #tpu.memory_space<vmem>>, vector<16xi32>,
        %get3A_34 = vector.shape_cast %get3A_33 : vector<16xi32> to vector<16xi32>
        %add3A_35 = vector.broadcast %squeeze3A : i32 to vector<16xi32>
        %add3A_36 = arith.addi %get3A_34, %add3A_35 : vector<16xi32>
        %swap3A = arith.constant 0 : index
        %swap3A_37 = tpu.vector_load %arg13[%swap3A] {strides = array<i32>} : memref<128xi32, #tpu.memory_space<vmem>>, vector<16xi32>,
        %swap3A_38 = vector.shape_cast %swap3A_37 : vector<16xi32> to vector<16xi32>
        %swap3A_39 = vector.shape_cast %add3A_36 : vector<16xi32> to vector<16xi32>
        tpu.vector_store %arg13[%swap3A], %swap3A_39 {strides = array<i32>} : memref<128xi32, #tpu.memory_space<vmem>>, vector<16xi32>,
        %get3A_40 = arith.constant 16 : index
        %get3A_41 = tpu.vector_load %arg13[%get3A_40] {strides = array<i32>} : memref<128xi32, #tpu.memory_space<vmem>>, vector<16xi32>,
        %get3A_42 = vector.shape_cast %get3A_41 : vector<16xi32> to vector<16xi32>
        %add3A_43 = vector.broadcast %squeeze3A : i32 to vector<16xi32>
        %add3A_44 = arith.addi %get3A_42, %add3A_43 : vector<16xi32>
        %swap3A_45 = arith.constant 16 : index
        %swap3A_46 = tpu.vector_load %arg13[%swap3A_45] {strides = array<i32>} : memref<128xi32, #tpu.memory_space<vmem>>, vector<16xi32>,
        %swap3A_47 = vector.shape_cast %swap3A_46 : vector<16xi32> to vector<16xi32>
        %swap3A_48 = vector.shape_cast %add3A_44 : vector<16xi32> to vector<16xi32>
        tpu.vector_store %arg13[%swap3A_45], %swap3A_48 {strides = array<i32>} : memref<128xi32, #tpu.memory_space<vmem>>, vector<16xi32>,
        %get3A_49 = arith.constant 32 : index
        %get3A_50 = tpu.vector_load %arg13[%get3A_49] {strides = array<i32>} : memref<128xi32, #tpu.memory_space<vmem>>, vector<16xi32>,
        %get3A_51 = vector.shape_cast %get3A_50 : vector<16xi32> to vector<16xi32>
        %add3A_52 = vector.broadcast %squeeze3A : i32 to vector<16xi32>
        %add3A_53 = arith.addi %get3A_51, %add3A_52 : vector<16xi32>
        %swap3A_54 = arith.constant 32 : index
        %swap3A_55 = tpu.vector_load %arg13[%swap3A_54] {strides = array<i32>} : memref<128xi32, #tpu.memory_space<vmem>>, vector<16xi32>,
        %swap3A_56 = vector.shape_cast %swap3A_55 : vector<16xi32> to vector<16xi32>
        %swap3A_57 = vector.shape_cast %add3A_53 : vector<16xi32> to vector<16xi32>
        tpu.vector_store %arg13[%swap3A_54], %swap3A_57 {strides = array<i32>} : memref<128xi32, #tpu.memory_space<vmem>>, vector<16xi32>,
        %get3A_58 = arith.constant 48 : index
        %get3A_59 = tpu.vector_load %arg13[%get3A_58] {strides = array<i32>} : memref<128xi32, #tpu.memory_space<vmem>>, vector<16xi32>,
        %get3A_60 = vector.shape_cast %get3A_59 : vector<16xi32> to vector<16xi32>
        %add3A_61 = vector.broadcast %squeeze3A : i32 to vector<16xi32>
        %add3A_62 = arith.addi %get3A_60, %add3A_61 : vector<16xi32>
        %swap3A_63 = arith.constant 48 : index
        %swap3A_64 = tpu.vector_load %arg13[%swap3A_63] {strides = array<i32>} : memref<128xi32, #tpu.memory_space<vmem>>, vector<16xi32>,
        %swap3A_65 = vector.shape_cast %swap3A_64 : vector<16xi32> to vector<16xi32>
        %swap3A_66 = vector.shape_cast %add3A_62 : vector<16xi32> to vector<16xi32>
        tpu.vector_store %arg13[%swap3A_63], %swap3A_66 {strides = array<i32>} : memref<128xi32, #tpu.memory_space<vmem>>, vector<16xi32>,
        %get3A_67 = arith.constant 64 : index
        %get3A_68 = tpu.vector_load %arg13[%get3A_67] {strides = array<i32>} : memref<128xi32, #tpu.memory_space<vmem>>, vector<16xi32>,
        %get3A_69 = vector.shape_cast %get3A_68 : vector<16xi32> to vector<16xi32>
        %add3A_70 = vector.broadcast %squeeze3A : i32 to vector<16xi32>
        %add3A_71 = arith.addi %get3A_69, %add3A_70 : vector<16xi32>
        %swap3A_72 = arith.constant 64 : index
        %swap3A_73 = tpu.vector_load %arg13[%swap3A_72] {strides = array<i32>} : memref<128xi32, #tpu.memory_space<vmem>>, vector<16xi32>,
        %swap3A_74 = vector.shape_cast %swap3A_73 : vector<16xi32> to vector<16xi32>
        %swap3A_75 = vector.shape_cast %add3A_71 : vector<16xi32> to vector<16xi32>
        tpu.vector_store %arg13[%swap3A_72], %swap3A_75 {strides = array<i32>} : memref<128xi32, #tpu.memory_space<vmem>>, vector<16xi32>,
        %get3A_76 = arith.constant 80 : index
        %get3A_77 = tpu.vector_load %arg13[%get3A_76] {strides = array<i32>} : memref<128xi32, #tpu.memory_space<vmem>>, vector<16xi32>,
        %get3A_78 = vector.shape_cast %get3A_77 : vector<16xi32> to vector<16xi32>
        %add3A_79 = vector.broadcast %squeeze3A : i32 to vector<16xi32>
        %add3A_80 = arith.addi %get3A_78, %add3A_79 : vector<16xi32>
        %swap3A_81 = arith.constant 80 : index
        %swap3A_82 = tpu.vector_load %arg13[%swap3A_81] {strides = array<i32>} : memref<128xi32, #tpu.memory_space<vmem>>, vector<16xi32>,
        %swap3A_83 = vector.shape_cast %swap3A_82 : vector<16xi32> to vector<16xi32>
        %swap3A_84 = vector.shape_cast %add3A_80 : vector<16xi32> to vector<16xi32>
        tpu.vector_store %arg13[%swap3A_81], %swap3A_84 {strides = array<i32>} : memref<128xi32, #tpu.memory_space<vmem>>, vector<16xi32>,
        %get3A_85 = arith.constant 96 : index
        %get3A_86 = tpu.vector_load %arg13[%get3A_85] {strides = array<i32>} : memref<128xi32, #tpu.memory_space<vmem>>, vector<16xi32>,
        %get3A_87 = vector.shape_cast %get3A_86 : vector<16xi32> to vector<16xi32>
        %add3A_88 = vector.broadcast %squeeze3A : i32 to vector<16xi32>
        %add3A_89 = arith.addi %get3A_87, %add3A_88 : vector<16xi32>
        %swap3A_90 = arith.constant 96 : index
        %swap3A_91 = tpu.vector_load %arg13[%swap3A_90] {strides = array<i32>} : memref<128xi32, #tpu.memory_space<vmem>>, vector<16xi32>,
        %swap3A_92 = vector.shape_cast %swap3A_91 : vector<16xi32> to vector<16xi32>
        %swap3A_93 = vector.shape_cast %add3A_89 : vector<16xi32> to vector<16xi32>
        tpu.vector_store %arg13[%swap3A_90], %swap3A_93 {strides = array<i32>} : memref<128xi32, #tpu.memory_space<vmem>>, vector<16xi32>,
        %get3A_94 = arith.constant 112 : index
        %get3A_95 = tpu.vector_load %arg13[%get3A_94] {strides = array<i32>} : memref<128xi32, #tpu.memory_space<vmem>>, vector<16xi32>,
        %get3A_96 = vector.shape_cast %get3A_95 : vector<16xi32> to vector<16xi32>
        %add3A_97 = vector.broadcast %squeeze3A : i32 to vector<16xi32>
        %add3A_98 = arith.addi %get3A_96, %add3A_97 : vector<16xi32>
        %swap3A_99 = arith.constant 112 : index
        %swap3A_100 = tpu.vector_load %arg13[%swap3A_99] {strides = array<i32>} : memref<128xi32, #tpu.memory_space<vmem>>, vector<16xi32>,
        %swap3A_101 = vector.shape_cast %swap3A_100 : vector<16xi32> to vector<16xi32>
        %swap3A_102 = vector.shape_cast %add3A_98 : vector<16xi32> to vector<16xi32>
        tpu.vector_store %arg13[%swap3A_99], %swap3A_102 {strides = array<i32>} : memref<128xi32, #tpu.memory_space<vmem>>, vector<16xi32>,
        %dma_start3A = arith.constant 0 : i32
        %dma_start3A_103 = arith.constant 0 : i32
        %dma_start3A_104 = tpu.memref_slice %arg4[%dma_start3A, %dma_start3A_103] : memref<260000x128xf32, #tpu.memory_space<hbm>> -> memref<260000x128xf32, #tpu.memory_space<hbm>>
        tpu.enqueue_indirect_dma source(%dma_start3A_104 : memref<260000x128xf32, #tpu.memory_space<hbm>>) target(%arg14 : memref<128x128xf32, #tpu.memory_space<vmem>>) offsets(%arg13 : memref<128xi32, #tpu.memory_space<vmem>>) semaphore(%arg16 : memref<!tpu.dma_semaphore, #tpu.memory_space<semaphore_mem>>)
        %dma_wait3A = arith.constant 0 : i32
        %dma_wait3A_105 = arith.constant 0 : i32
        %dma_wait3A_106 = tpu.memref_slice %arg4[%dma_wait3A, %dma_wait3A_105] : memref<260000x128xf32, #tpu.memory_space<hbm>> -> memref<260000x128xf32, #tpu.memory_space<hbm>>
        tpu.wait_indirect_dma semaphore(%arg16 : memref<!tpu.dma_semaphore, #tpu.memory_space<semaphore_mem>>) src(%dma_wait3A_106 : memref<260000x128xf32, #tpu.memory_space<hbm>>) dst(%arg14 : memref<128x128xf32, #tpu.memory_space<vmem>>)
        %scan3A_107 = arith.constant 0 : i32
        %scan3A_108 = arith.constant 128 : i32
        %scan3A_109 = arith.addi %scan3A_107, %scan3A_108 : i32
        %scan3A_110 = arith.constant 1 : i32
        scf.for %scan3A_114 = %scan3A_107 to %scan3A_109 step %scan3A_110  : i32 {
          %mul3A_115 = arith.constant 1 : i32
          %mul3A_116 = arith.muli %scan3A_114, %mul3A_115 : i32
          %add3A_117 = arith.constant 0 : i32
          %add3A_118 = arith.addi %add3A_117, %mul3A_116 : i32
          %get3A_119 = arith.index_cast %add3A_118 : i32 to index
          %get3A_120 = arith.constant 0 : index
          %get3A_121 = tpu.vector_load %arg14[%get3A_119, %get3A_120] {strides = array<i32>} : memref<128x128xf32, #tpu.memory_space<vmem>>, vector<1x16xf32>,
          %get3A_122 = vector.shape_cast %get3A_121 : vector<1x16xf32> to vector<16xf32>
          %add3A_123 = arith.constant 13 : i32
          %add3A_124 = arith.addi %add3A_123, %add3A_29 : i32
          %get3A_125 = arith.index_cast %add3A_124 : i32 to index
          %get3A_126 = arith.constant 0 : index
          %get3A_127 = tpu.vector_load %arg10[%get3A_125, %get3A_126] {strides = array<i32>} : memref<39x128xf32, #tpu.memory_space<vmem>>, vector<1x16xf32>,
          %get3A_128 = vector.shape_cast %get3A_127 : vector<1x16xf32> to vector<16xf32>
          %add3A_129 = arith.addf %get3A_122, %get3A_128 : vector<16xf32>
          %swap3A_130 = arith.constant 0 : i32
          %swap3A_131 = arith.index_cast %add3A_118 : i32 to index
          %swap3A_132 = arith.index_cast %swap3A_130 : i32 to index
          %swap3A_133 = arith.constant 0 : index
          %swap3A_134 = tpu.vector_load %arg15[%swap3A_131, %swap3A_132, %swap3A_133] {strides = array<i32>} : memref<128x1x128xf32, #tpu.memory_space<vmem>>, vector<1x1x16xf32>,
          %swap3A_135 = vector.shape_cast %swap3A_134 : vector<1x1x16xf32> to vector<16xf32>
          %swap3A_136 = vector.shape_cast %add3A_129 : vector<16xf32> to vector<1x1x16xf32>
          tpu.vector_store %arg15[%swap3A_131, %swap3A_132, %swap3A_133], %swap3A_136 {strides = array<i32>} : memref<128x1x128xf32, #tpu.memory_space<vmem>>, vector<1x1x16xf32>,
          %get3A_137 = arith.index_cast %add3A_118 : i32 to index
          %get3A_138 = arith.constant 16 : index
          %get3A_139 = tpu.vector_load %arg14[%get3A_137, %get3A_138] {strides = array<i32>} : memref<128x128xf32, #tpu.memory_space<vmem>>, vector<1x16xf32>,
          %get3A_140 = vector.shape_cast %get3A_139 : vector<1x16xf32> to vector<16xf32>
          %add3A_141 = arith.constant 13 : i32
          %add3A_142 = arith.addi %add3A_141, %add3A_29 : i32
          %get3A_143 = arith.index_cast %add3A_142 : i32 to index
          %get3A_144 = arith.constant 16 : index
          %get3A_145 = tpu.vector_load %arg10[%get3A_143, %get3A_144] {strides = array<i32>} : memref<39x128xf32, #tpu.memory_space<vmem>>, vector<1x16xf32>,
          %get3A_146 = vector.shape_cast %get3A_145 : vector<1x16xf32> to vector<16xf32>
          %add3A_147 = arith.addf %get3A_140, %get3A_146 : vector<16xf32>
          %swap3A_148 = arith.constant 0 : i32
          %swap3A_149 = arith.index_cast %add3A_118 : i32 to index
          %swap3A_150 = arith.index_cast %swap3A_148 : i32 to index
          %swap3A_151 = arith.constant 16 : index
          %swap3A_152 = tpu.vector_load %arg15[%swap3A_149, %swap3A_150, %swap3A_151] {strides = array<i32>} : memref<128x1x128xf32, #tpu.memory_space<vmem>>, vector<1x1x16xf32>,
          %swap3A_153 = vector.shape_cast %swap3A_152 : vector<1x1x16xf32> to vector<16xf32>
          %swap3A_154 = vector.shape_cast %add3A_147 : vector<16xf32> to vector<1x1x16xf32>
          tpu.vector_store %arg15[%swap3A_149, %swap3A_150, %swap3A_151], %swap3A_154 {strides = array<i32>} : memref<128x1x128xf32, #tpu.memory_space<vmem>>, vector<1x1x16xf32>,
          %get3A_155 = arith.index_cast %add3A_118 : i32 to index
          %get3A_156 = arith.constant 32 : index
          %get3A_157 = tpu.vector_load %arg14[%get3A_155, %get3A_156] {strides = array<i32>} : memref<128x128xf32, #tpu.memory_space<vmem>>, vector<1x16xf32>,
          %get3A_158 = vector.shape_cast %get3A_157 : vector<1x16xf32> to vector<16xf32>
          %add3A_159 = arith.constant 13 : i32
          %add3A_160 = arith.addi %add3A_159, %add3A_29 : i32
          %get3A_161 = arith.index_cast %add3A_160 : i32 to index
          %get3A_162 = arith.constant 32 : index
          %get3A_163 = tpu.vector_load %arg10[%get3A_161, %get3A_162] {strides = array<i32>} : memref<39x128xf32, #tpu.memory_space<vmem>>, vector<1x16xf32>,
          %get3A_164 = vector.shape_cast %get3A_163 : vector<1x16xf32> to vector<16xf32>
          %add3A_165 = arith.addf %get3A_158, %get3A_164 : vector<16xf32>
          %swap3A_166 = arith.constant 0 : i32
          %swap3A_167 = arith.index_cast %add3A_118 : i32 to index
          %swap3A_168 = arith.index_cast %swap3A_166 : i32 to index
          %swap3A_169 = arith.constant 32 : index
          %swap3A_170 = tpu.vector_load %arg15[%swap3A_167, %swap3A_168, %swap3A_169] {strides = array<i32>} : memref<128x1x128xf32, #tpu.memory_space<vmem>>, vector<1x1x16xf32>,
          %swap3A_171 = vector.shape_cast %swap3A_170 : vector<1x1x16xf32> to vector<16xf32>
          %swap3A_172 = vector.shape_cast %add3A_165 : vector<16xf32> to vector<1x1x16xf32>
          tpu.vector_store %arg15[%swap3A_167, %swap3A_168, %swap3A_169], %swap3A_172 {strides = array<i32>} : memref<128x1x128xf32, #tpu.memory_space<vmem>>, vector<1x1x16xf32>,
          %get3A_173 = arith.index_cast %add3A_118 : i32 to index
          %get3A_174 = arith.constant 48 : index
          %get3A_175 = tpu.vector_load %arg14[%get3A_173, %get3A_174] {strides = array<i32>} : memref<128x128xf32, #tpu.memory_space<vmem>>, vector<1x16xf32>,
          %get3A_176 = vector.shape_cast %get3A_175 : vector<1x16xf32> to vector<16xf32>
          %add3A_177 = arith.constant 13 : i32
          %add3A_178 = arith.addi %add3A_177, %add3A_29 : i32
          %get3A_179 = arith.index_cast %add3A_178 : i32 to index
          %get3A_180 = arith.constant 48 : index
          %get3A_181 = tpu.vector_load %arg10[%get3A_179, %get3A_180] {strides = array<i32>} : memref<39x128xf32, #tpu.memory_space<vmem>>, vector<1x16xf32>,
          %get3A_182 = vector.shape_cast %get3A_181 : vector<1x16xf32> to vector<16xf32>
          %add3A_183 = arith.addf %get3A_176, %get3A_182 : vector<16xf32>
          %swap3A_184 = arith.constant 0 : i32
          %swap3A_185 = arith.index_cast %add3A_118 : i32 to index
          %swap3A_186 = arith.index_cast %swap3A_184 : i32 to index
          %swap3A_187 = arith.constant 48 : index
          %swap3A_188 = tpu.vector_load %arg15[%swap3A_185, %swap3A_186, %swap3A_187] {strides = array<i32>} : memref<128x1x128xf32, #tpu.memory_space<vmem>>, vector<1x1x16xf32>,
          %swap3A_189 = vector.shape_cast %swap3A_188 : vector<1x1x16xf32> to vector<16xf32>
          %swap3A_190 = vector.shape_cast %add3A_183 : vector<16xf32> to vector<1x1x16xf32>
          tpu.vector_store %arg15[%swap3A_185, %swap3A_186, %swap3A_187], %swap3A_190 {strides = array<i32>} : memref<128x1x128xf32, #tpu.memory_space<vmem>>, vector<1x1x16xf32>,
          %get3A_191 = arith.index_cast %add3A_118 : i32 to index
          %get3A_192 = arith.constant 64 : index
          %get3A_193 = tpu.vector_load %arg14[%get3A_191, %get3A_192] {strides = array<i32>} : memref<128x128xf32, #tpu.memory_space<vmem>>, vector<1x16xf32>,
          %get3A_194 = vector.shape_cast %get3A_193 : vector<1x16xf32> to vector<16xf32>
          %add3A_195 = arith.constant 13 : i32
          %add3A_196 = arith.addi %add3A_195, %add3A_29 : i32
          %get3A_197 = arith.index_cast %add3A_196 : i32 to index
          %get3A_198 = arith.constant 64 : index
          %get3A_199 = tpu.vector_load %arg10[%get3A_197, %get3A_198] {strides = array<i32>} : memref<39x128xf32, #tpu.memory_space<vmem>>, vector<1x16xf32>,
          %get3A_200 = vector.shape_cast %get3A_199 : vector<1x16xf32> to vector<16xf32>
          %add3A_201 = arith.addf %get3A_194, %get3A_200 : vector<16xf32>
          %swap3A_202 = arith.constant 0 : i32
          %swap3A_203 = arith.index_cast %add3A_118 : i32 to index
          %swap3A_204 = arith.index_cast %swap3A_202 : i32 to index
          %swap3A_205 = arith.constant 64 : index
          %swap3A_206 = tpu.vector_load %arg15[%swap3A_203, %swap3A_204, %swap3A_205] {strides = array<i32>} : memref<128x1x128xf32, #tpu.memory_space<vmem>>, vector<1x1x16xf32>,
          %swap3A_207 = vector.shape_cast %swap3A_206 : vector<1x1x16xf32> to vector<16xf32>
          %swap3A_208 = vector.shape_cast %add3A_201 : vector<16xf32> to vector<1x1x16xf32>
          tpu.vector_store %arg15[%swap3A_203, %swap3A_204, %swap3A_205], %swap3A_208 {strides = array<i32>} : memref<128x1x128xf32, #tpu.memory_space<vmem>>, vector<1x1x16xf32>,
          %get3A_209 = arith.index_cast %add3A_118 : i32 to index
          %get3A_210 = arith.constant 80 : index
          %get3A_211 = tpu.vector_load %arg14[%get3A_209, %get3A_210] {strides = array<i32>} : memref<128x128xf32, #tpu.memory_space<vmem>>, vector<1x16xf32>,
          %get3A_212 = vector.shape_cast %get3A_211 : vector<1x16xf32> to vector<16xf32>
          %add3A_213 = arith.constant 13 : i32
          %add3A_214 = arith.addi %add3A_213, %add3A_29 : i32
          %get3A_215 = arith.index_cast %add3A_214 : i32 to index
          %get3A_216 = arith.constant 80 : index
          %get3A_217 = tpu.vector_load %arg10[%get3A_215, %get3A_216] {strides = array<i32>} : memref<39x128xf32, #tpu.memory_space<vmem>>, vector<1x16xf32>,
          %get3A_218 = vector.shape_cast %get3A_217 : vector<1x16xf32> to vector<16xf32>
          %add3A_219 = arith.addf %get3A_212, %get3A_218 : vector<16xf32>
          %swap3A_220 = arith.constant 0 : i32
          %swap3A_221 = arith.index_cast %add3A_118 : i32 to index
          %swap3A_222 = arith.index_cast %swap3A_220 : i32 to index
          %swap3A_223 = arith.constant 80 : index
          %swap3A_224 = tpu.vector_load %arg15[%swap3A_221, %swap3A_222, %swap3A_223] {strides = array<i32>} : memref<128x1x128xf32, #tpu.memory_space<vmem>>, vector<1x1x16xf32>,
          %swap3A_225 = vector.shape_cast %swap3A_224 : vector<1x1x16xf32> to vector<16xf32>
          %swap3A_226 = vector.shape_cast %add3A_219 : vector<16xf32> to vector<1x1x16xf32>
          tpu.vector_store %arg15[%swap3A_221, %swap3A_222, %swap3A_223], %swap3A_226 {strides = array<i32>} : memref<128x1x128xf32, #tpu.memory_space<vmem>>, vector<1x1x16xf32>,
          %get3A_227 = arith.index_cast %add3A_118 : i32 to index
          %get3A_228 = arith.constant 96 : index
          %get3A_229 = tpu.vector_load %arg14[%get3A_227, %get3A_228] {strides = array<i32>} : memref<128x128xf32, #tpu.memory_space<vmem>>, vector<1x16xf32>,
          %get3A_230 = vector.shape_cast %get3A_229 : vector<1x16xf32> to vector<16xf32>
          %add3A_231 = arith.constant 13 : i32
          %add3A_232 = arith.addi %add3A_231, %add3A_29 : i32
          %get3A_233 = arith.index_cast %add3A_232 : i32 to index
          %get3A_234 = arith.constant 96 : index
          %get3A_235 = tpu.vector_load %arg10[%get3A_233, %get3A_234] {strides = array<i32>} : memref<39x128xf32, #tpu.memory_space<vmem>>, vector<1x16xf32>,
          %get3A_236 = vector.shape_cast %get3A_235 : vector<1x16xf32> to vector<16xf32>
          %add3A_237 = arith.addf %get3A_230, %get3A_236 : vector<16xf32>
          %swap3A_238 = arith.constant 0 : i32
          %swap3A_239 = arith.index_cast %add3A_118 : i32 to index
          %swap3A_240 = arith.index_cast %swap3A_238 : i32 to index
          %swap3A_241 = arith.constant 96 : index
          %swap3A_242 = tpu.vector_load %arg15[%swap3A_239, %swap3A_240, %swap3A_241] {strides = array<i32>} : memref<128x1x128xf32, #tpu.memory_space<vmem>>, vector<1x1x16xf32>,
          %swap3A_243 = vector.shape_cast %swap3A_242 : vector<1x1x16xf32> to vector<16xf32>
          %swap3A_244 = vector.shape_cast %add3A_237 : vector<16xf32> to vector<1x1x16xf32>
          tpu.vector_store %arg15[%swap3A_239, %swap3A_240, %swap3A_241], %swap3A_244 {strides = array<i32>} : memref<128x1x128xf32, #tpu.memory_space<vmem>>, vector<1x1x16xf32>,
          %get3A_245 = arith.index_cast %add3A_118 : i32 to index
          %get3A_246 = arith.constant 112 : index
          %get3A_247 = tpu.vector_load %arg14[%get3A_245, %get3A_246] {strides = array<i32>} : memref<128x128xf32, #tpu.memory_space<vmem>>, vector<1x16xf32>,
          %get3A_248 = vector.shape_cast %get3A_247 : vector<1x16xf32> to vector<16xf32>
          %add3A_249 = arith.constant 13 : i32
          %add3A_250 = arith.addi %add3A_249, %add3A_29 : i32
          %get3A_251 = arith.index_cast %add3A_250 : i32 to index
          %get3A_252 = arith.constant 112 : index
          %get3A_253 = tpu.vector_load %arg10[%get3A_251, %get3A_252] {strides = array<i32>} : memref<39x128xf32, #tpu.memory_space<vmem>>, vector<1x16xf32>,
          %get3A_254 = vector.shape_cast %get3A_253 : vector<1x16xf32> to vector<16xf32>
          %add3A_255 = arith.addf %get3A_248, %get3A_254 : vector<16xf32>
          %swap3A_256 = arith.constant 0 : i32
          %swap3A_257 = arith.index_cast %add3A_118 : i32 to index
          %swap3A_258 = arith.index_cast %swap3A_256 : i32 to index
          %swap3A_259 = arith.constant 112 : index
          %swap3A_260 = tpu.vector_load %arg15[%swap3A_257, %swap3A_258, %swap3A_259] {strides = array<i32>} : memref<128x1x128xf32, #tpu.memory_space<vmem>>, vector<1x1x16xf32>,
          %swap3A_261 = vector.shape_cast %swap3A_260 : vector<1x1x16xf32> to vector<16xf32>
          %swap3A_262 = vector.shape_cast %add3A_255 : vector<16xf32> to vector<1x1x16xf32>
          tpu.vector_store %arg15[%swap3A_257, %swap3A_258, %swap3A_259], %swap3A_262 {strides = array<i32>} : memref<128x1x128xf32, #tpu.memory_space<vmem>>, vector<1x1x16xf32>,
        }
        %scan3A_111 = arith.constant 128 : i32
        %add3A_112 = arith.constant 13 : i32
        %add3A_113 = arith.addi %add3A_112, %add3A_29 : i32
        "tpu.region"() ({
          %run_scoped3A = tpu.sem_alloc : memref<!tpu.dma_semaphore, #tpu.memory_space<semaphore_mem>>
          %dma_start3A_114 = arith.constant 0 : i32
          %dma_start3A_115 = tpu.memref_slice %arg8[%add3A_14, %add3A_113, %dma_start3A_114] : memref<16384x39x128xf32, #tpu.memory_space<hbm>> -> memref<128x1x128xf32, #tpu.memory_space<hbm>>
          %dma_start3A_116 = arith.constant 0 : i32
          %dma_start3A_117 = tpu.memref_slice %arg8[%add3A_14, %add3A_113, %dma_start3A_116] : memref<16384x39x128xf32, #tpu.memory_space<hbm>> -> memref<128x1x128xf32, #tpu.memory_space<hbm>>
          tpu.enqueue_dma source(%arg15 : memref<128x1x128xf32, #tpu.memory_space<vmem>>) target(%dma_start3A_117 : memref<128x1x128xf32, #tpu.memory_space<hbm>>) target_semaphore(%run_scoped3A : memref<!tpu.dma_semaphore, #tpu.memory_space<semaphore_mem>>)
          %dma_wait3A_118 = arith.constant 0 : i32
          %dma_wait3A_119 = tpu.memref_slice %arg8[%add3A_14, %add3A_113, %dma_wait3A_118] : memref<16384x39x128xf32, #tpu.memory_space<hbm>> -> memref<128x1x128xf32, #tpu.memory_space<hbm>>
          %dma_wait3A_120 = arith.constant 0 : i32
          %dma_wait3A_121 = tpu.memref_slice %arg8[%add3A_14, %add3A_113, %dma_wait3A_120] : memref<16384x39x128xf32, #tpu.memory_space<hbm>> -> memref<128x1x128xf32, #tpu.memory_space<hbm>>
          tpu.wait_dma2 semaphore(%run_scoped3A : memref<!tpu.dma_semaphore, #tpu.memory_space<semaphore_mem>>) src(%arg15 : memref<128x1x128xf32, #tpu.memory_space<vmem>>) dst(%dma_wait3A_121 : memref<128x1x128xf32, #tpu.memory_space<hbm>>)
          tpu.yield
        }) : () -> ()
      }
      %scan3A_24 = arith.constant 26 : i32
    }
    %scan3A_6 = arith.constant 4 : i32
    return
  }
}

</mosaic_0001>

<sc_bundles>
// kernel: kernel.3.cloned.1.call-start
scs
__scs_entry_jumppad:
0x0: {  	(pc) =	sbr.rel $0x88, $3  }
0x1: {  	(tag) =	ssettag $0x0;
	lr =	simm.s32 $0x1  }
0x2: {  	[smem:$0x3F9B] =	sst lr;
	_ =	strace $0xD0000000  }
0x3: {  	_ = 	snop  }
0x4: {  	_ = 	snop  }
0x5: {  	_ = 	snop  }
0x6: {  	_ = 	snop  }
0x7: {  	_ = 	snop  }
__scs_overlays_trampoline_lowered:
0x8: {  	[smem:$0x3FAA] =	sst s0  }
0x9: {  	[smem:$0x3FAB] =	sst s1  }
0xa: {  	[smem:$0x3FAC] =	sst s2  }
0xb: {  	[smem:$0x3FAD] =	sst s3  }
0xc: {  	[smem:$0x3FAE] =	sst s4  }
0xd: {  	[smem:$0x3FAF] =	sst s5  }
0xe: {  	[smem:$0x3FB0] =	sst s6  }
0xf: {  	[smem:$0x3FB1] =	sst s7  }
0x10: {  	[smem:$0x3FB2] =	sst s8  }
0x11: {  	[smem:$0x3FB3] =	sst s9;
	s0 =	simm.s32 @!p0 $0x0  }
0x12: {  	s1 =	sld [smem:$0x3F99];
	s0 =	simm.s32 @p0 $0x1  }
0x13: {  	[smem:$0x3FB4] =	sst s0;
	s0 =	simm.s32 @!p1 $0x0  }
0x14: {  	s2 =	sld [smem:$0x3F98];
	s0 =	simm.s32 @p1 $0x1  }
0x15: {  	[smem:$0x3FB5] =	sst s0;
	s0 =	simm.s32 @!p2 $0x0  }
0x16: {  	s3 =	sld [smem:$0x3FDB];
	s0 =	simm.s32 @p2 $0x1  }
0x17: {  	s4 =	simm.s32 $0x1BF5;
	[smem:$0x3FB7] =	sst s0  }
0x18: {  	s0 =	sld [smem:$0x3F9A];
	_ =	swait.ge [sflag:s4], $0x0  }
0x19: {  	s7 =	sld [smem:$0x3F9B]  }
0x1a: {  	s8 =	sadd.s32 $0xFFFFE003, lr  }
0x1b: {  	s9 =	sadd.s32 $0xFFFFFEF7, lr;
	s5 =	simm.s32 $0xFFFFFFFF;
	p2 =	slt.u32 s8, $0xFFFFF086  }
0x1c: {  	p1 =	slt.u32 s9, $0xF7A;
	s5 =	simm.s32 @!p2 $0x0  }
0x1d: {  	s5 =	simm.s32 @p1 $0x1;
	p0 =	seq.s32 s7, s2  }
0x1e: {  	s7 =	smul.u32 @!p0 $0xF7A, s2;
	p2 =	seq.s32 @!p0 s5, $0x0  }
0x1f: {  	s9 =	smul.u32 $0xF7A, s1;
	s8 =	simm.s32 @!p0 $0x1BF5;
	p2 =	por !p2, p0  }
0x20: {  	[sflag:s8] =	ssyncset.s32 @!p0 $0xFFFFF086;
	s6 =	sadd.s32 @!p0 s3, s7;
	s7 =	simm.s32 @!p0 $0x108  }
0x21: {  	s3 =	sadd.s32 s3, s9;
	s6 =	sadd.s32 @!p0 $0x88, s6;
	s7 =	simm.s32 @p2 $0x1082  }
0x22: {  	[simem:s7], [sflag:s8] =	dma.local @!p0 [hbm:s6], $0xF7A  }
0x23: {  	s9 =	sor.u32 $0xD0000000, s2;
	s6 =	simm.s32 $0x108;
	_ =	swait.ge @!p0 [sflag:s8], $0x0  }
0x24: {  	s3 =	sadd.s32 $0x88, s3;
	s6 =	simm.s32 @!p1 $0x1082;
	[sflag:s4] =	ssyncset.s32 $0xFFFFF086  }
0x25: {  	[simem:s6], [sflag:s4] =	dma.local [hbm:s3], $0xF7A  }
0x26: {  	[smem:$0x3F9B] =	sst s1;
	(tag) =	ssettag s2;
	_ =	strace s9  }
0x27: {  	s1 =	sld [smem:$0x3FAB]  }
0x28: {  	s2 =	sld [smem:$0x3FAC]  }
0x29: {  	s4 =	sld [smem:$0x3FAE]  }
0x2a: {  	p0 =	seq.s32 s5, $0x0;
	s5 =	sld [smem:$0x3FAF]  }
0x2b: {  	s6 =	sld [smem:$0x3FB0]  }
0x2c: {  	s7 =	sld [smem:$0x3FB1]  }
0x2d: {  	s3 =	simm.s32 $0x108;
	s8 =	sld [smem:$0x3FB2]  }
0x2e: {  	s3 =	simm.s32 @!p0 $0x1082;
	s9 =	sld [smem:$0x3FB3]  }
0x2f: {  	lr =	sadd.s32 s0, s3;
	s0 =	sld [smem:$0x3FAA]  }
0x30: {  	s3 =	sld [smem:$0x3FAD]  }
0x31: {  	[smem:$0x3FB6] =	sst s10  }
0x32: {  	s10 =	sld [smem:$0x3FB4];
	_ =	sdelay $0x3  }
0x33: {  	p0 =	seq.s32 s10, $0x1;
	s10 =	sld [smem:$0x3FB6];
	_ =	sdelay $0x3  }
0x34: {  	[smem:$0x3FB6] =	sst s10  }
0x35: {  	s10 =	sld [smem:$0x3FB5];
	_ =	sdelay $0x3  }
0x36: {  	p1 =	seq.s32 s10, $0x1;
	s10 =	sld [smem:$0x3FB6];
	_ =	sdelay $0x3  }
0x37: {  	[smem:$0x3FB6] =	sst s10  }
0x38: {  	s10 =	sld [smem:$0x3FB7]  }
0x39: {  	_ = 	snop;
	(pc) =	sbr.ind lr, $3  }
0x3a: {  	_ = 	snop  }
0x3b: {  	_ = 	snop  }
0x3c: {  	p2 =	seq.s32 s10, $0x1;
	s10 =	sld [smem:$0x3FB6]  }
0x3d: {  	_ =	shalt  }
0x3e: {  	_ =	shalt  }
0x3f: {  	_ =	shalt  }
0x40: {  	_ =	shalt  }
0x41: {  	_ =	shalt  }
0x42: {  	_ =	shalt  }
0x43: {  	_ =	shalt  }
0x44: {  	_ =	shalt  }
0x45: {  	_ =	shalt  }
0x46: {  	_ =	shalt  }
0x47: {  	_ =	shalt  }
0x48: {  	_ =	shalt  }
0x49: {  	_ =	shalt  }
0x4a: {  	_ =	shalt  }
0x4b: {  	_ =	shalt  }
0x4c: {  	_ =	shalt  }
0x4d: {  	_ =	shalt  }
0x4e: {  	_ =	shalt  }
0x4f: {  	_ =	shalt  }
0x50: {  	_ =	shalt  }
0x51: {  	_ =	shalt  }
0x52: {  	_ =	shalt  }
0x53: {  	_ =	shalt  }
0x54: {  	_ =	shalt  }
0x55: {  	_ =	shalt  }
0x56: {  	_ =	shalt  }
0x57: {  	_ =	shalt  }
0x58: {  	_ =	shalt  }
0x59: {  	_ =	shalt  }
0x5a: {  	_ =	shalt  }
0x5b: {  	_ =	shalt  }
0x5c: {  	_ =	shalt  }
0x5d: {  	_ =	shalt  }
0x5e: {  	_ =	shalt  }
0x5f: {  	_ =	shalt  }
0x60: {  	_ =	shalt  }
0x61: {  	_ =	shalt  }
0x62: {  	_ =	shalt  }
0x63: {  	_ =	shalt  }
0x64: {  	_ =	shalt  }
0x65: {  	_ =	shalt  }
0x66: {  	_ =	shalt  }
0x67: {  	_ =	shalt  }
0x68: {  	_ =	shalt  }
0x69: {  	_ =	shalt  }
0x6a: {  	_ =	shalt  }
0x6b: {  	_ =	shalt  }
0x6c: {  	_ =	shalt  }
0x6d: {  	_ =	shalt  }
0x6e: {  	_ =	shalt  }
0x6f: {  	_ =	shalt  }
0x70: {  	_ =	shalt  }
0x71: {  	_ =	shalt  }
0x72: {  	_ =	shalt  }
0x73: {  	_ =	shalt  }
0x74: {  	_ =	shalt  }
0x75: {  	_ =	shalt  }
0x76: {  	_ =	shalt  }
0x77: {  	_ =	shalt  }
0x78: {  	_ =	shalt  }
0x79: {  	_ =	shalt  }
0x7a: {  	_ =	shalt  }
0x7b: {  	_ =	shalt  }
0x7c: {  	_ =	shalt  }
0x7d: {  	_ =	shalt  }
0x7e: {  	_ =	shalt  }
0x7f: {  	_ =	shalt  }
0x80: {  	_ =	shalt  }
0x81: {  	_ =	shalt  }
0x82: {  	_ =	shalt  }
0x83: {  	_ =	shalt  }
0x84: {  	_ =	shalt  }
0x85: {  	_ =	shalt  }
0x86: {  	_ =	shalt  }
0x87: {  	_ =	shalt  }
.Lfunc_end0:
.L_simem_size_0:
called_computation_lowered:
.L_overlay_start_0:
0x88: {  	s2 =	sld [smem:$0x3FD9]  }
0x89: {  	s3 =	sld [smem:$0x3FFE];
	_ =	sdelay $0x1  }
0x8a: {  	s1 =	srdreg.scid  }
0x8b: {  	s0 =	sand.u32 $0x1, s1  }
0x8c: {  	s17 =	sshll.u32 s0, $0xA;
	s2 =	sadd.s32 s3, s2  }
0x8d: {  	s2 =	sadd.s32 s2, s17  }
0x8e: {  	[smem:$0x3FC2] =	sst s2  }
0x8f: {  	_ = 	snop  }
0x90: {  	s2 =	sld [smem:$0x3FC9]  }
0x91: {  	s18 =	sld [smem:$0x3FC8]  }
0x92: {  	s4 =	sld [smem:$0x3FC7]  }
0x93: {  	s5 =	sld [smem:$0x3FC6]  }
0x94: {  	s6 =	sld [smem:$0x3FC5]  }
0x95: {  	s7 =	sld [smem:$0x3FD0];
	(tm) =	ssettm $0x1  }
0x96: {  	s8 =	sld [smem:$0x3FFB];
	_ =	sdelay $0x3  }
0x97: {  	_ =	strace s8  }
0x98: {  	s8 =	sld [smem:$0x3FFC];
	_ =	sdelay $0x3  }
0x99: {  	_ =	strace s8  }
0x9a: {  	s8 =	sld [smem:$0x3FFD];
	_ =	sdelay $0x3  }
0x9b: {  	_ =	strace s8  }
0x9c: {  	_ =	strace $0x8FFFFFFF  }
0x9d: {  	s19 =	sld [smem:$0x3FDB];
	_ =	sdelay $0x1  }
0x9e: {  	s9 =	simm.s32 $_scs_section_size  }
0x9f: {  	s10 =	simm.s32 $_size__tile_overlayer_lowered;
	s11 =	simm.s32 $_tile_overlayer_lowered  }
0xa0: {  	s22 =	simm.s32 $0x1BFF;
	s21 =	sshll.u32 s11, $0x1;
	s8 =	sadd.s32 s9, s19  }
0xa1: {  	s12 =	simm.s32 $0x0;
	s20 =	sshll.u32 s10, $0x1;
	s10 =	sadd.s32 s21, s8  }
0xa2: {  	[timem:s12], [sflag:s22] =	dma.local [hbm:s10], s20  }
0xa3: {  	_ =	swait.ge [sflag:s22], s20  }
0xa4: {  	s9 =	ssub.s32 $0x0, s20;
	[sflag:s22] =	ssyncset.done $0x0  }
0xa5: {  	[sflag:s22] =	ssyncadd.s32 s9;
	_ =	sdelay $0x1  }
0xa6: {  	s23 =	simm.s32 $0x1B8B  }
0xa7: {  	_ =	swait.ge [sflag:s23], $0x1  }
0xa8: {  	[sflag:s23] =	ssyncset.done $0x0  }
0xa9: {  	s25 =	simm.s32 $0x1B8E;
	s24 =	sld [smem:$0x3FFE];
	[sflag:s23] =	ssyncadd.s32 $0xFFFFFFFF  }
0xaa: {  	s26 =	simm.s32 $execute0_lowered;
	[smem:$0x3FD2] =	sst s25  }
0xab: {  	s10 =	sshll.u32 s26, $0x1;
	_ =	strace $0x80000046;
	[dreg:$0x1] =	wrdreg $0xFFFFFFFF  }
0xac: {  	s28 =	simm.s32 $_size_execute0_lowered;
	s8 =	sadd.s32 s8, s10;
	[dreg:$0x0] =	wrdreg $0x0  }
0xad: {  	s10 =	sshll.u32 s28, $0x1;
	[dreg:$0x2] =	wrdreg s8  }
0xae: {  	[dreg:$0x3] =	wrdreg s10  }
0xaf: {  	[dreg:$0x4] =	wrdreg $0xC0  }
0xb0: {  	_ =	task [dreg:s12], $0x5FFFF  }
0xb1: {  	[dreg:$0x1] =	wrdreg $0xFFFFFFFF  }
0xb2: {  	[dreg:$0x0] =	wrdreg $0x60  }
0xb3: {  	[dreg:$0x2] =	wrdreg s2  }
0xb4: {  	[dreg:$0x3] =	wrdreg s18  }
0xb5: {  	[dreg:$0x4] =	wrdreg s4  }
0xb6: {  	[dreg:$0x5] =	wrdreg s5  }
0xb7: {  	[dreg:$0x6] =	wrdreg s6  }
0xb8: {  	[dreg:$0x7] =	wrdreg s7  }
0xb9: {  	[dreg:$0x8] =	wrdreg s24  }
0xba: {  	[dreg:$0x9] =	wrdreg $0x9  }
0xbb: {  	_ =	task.clear_ibuf [dreg:s12], $0xAFFFF;
	_ =	strace $0x90000046  }
0xbc: {  	s29 =	simm.s32 $0x9;
	_ =	strace $0x80000048  }
0xbd: {  	_ =	swait.ge [sflag:s29], $0x1  }
0xbe: {  	[sflag:s29] =	ssyncadd.s32 $0xFFFFFFFF  }
0xbf: {  	_ =	strace $0x90000048  }
0xc0: {  	_ =	sfence  }
0xc1: {  	s30 =	sld [smem:$0x0];
	_ =	sdelay $0x2  }
0xc2: {  	s31 =	sshll.u32 s1, $0xD;
	s1 =	sshrl.u32 s1, $0x2  }
0xc3: {  	s3 =	sand.u32 $0x4000, s31;
	s1 =	sadd.s32 s1, s30  }
0xc4: {  	s0 =	sor.u32 s3, s0;
	s1 =	sshll.u32 s1, $0x11  }
0xc5: {  	s0 =	sor.u32 s1, s0  }
0xc6: {  	s0 =	sadd.s32 $0x8F2B, s0  }
0xc7: {  	[sflag:s0] =	ssyncadd.remote.s32 $0x1  }
0xc8: {  	_ =	sfence.sel $0xFFFF  }
0xc9: {  	[dreg:$0x0] =	wrdreg $0xFFFFFFFF;
	(pc) =	sbr.abs _section_cstart, $3  }
0xca: {  	[dreg:$0x1] =	wrdreg $0xFFFFFFFF  }
0xcb: {  	_ =	task.clear_ibuf [dreg:s12], $0x2FFFF;
	_ =	strace $0x9FFFFFFF  }
0xcc: {  	(tm) =	ssettm $0x7FFFFFFF  }
0xcd: {  	_ =	shalt  }
tec
execute0_lowered:
.L_overlay_start_1:
0x0: {  	(tag) =	ssettag $0x1  }
0x1: {  	s0 =	rddreg [dreg:$0x0]  }
0x2: {  	s3 =	rddreg [dreg:$0x2]  }
0x3: {  	s1 =	rddreg [dreg:$0x6];
	s4 =	simm.s32 $0x0;
	s2 =	srdreg.scid  }
0x4: {  	s6 =	stileid.u32;
	s12 =	simm.s32 $0x2;
	s15 =	simm.s32 $0x1C80  }
0x5: {  	s16 =	simm.s32 $0x80;
	s17 =	simm.s32 $0x1400;
	s18 =	simm.s32 $0x5E00  }
0x6: {  	s19 =	simm.s32 $0x1D80;
	s20 =	simm.s32 $0x1E00;
	s2 =	sand.u32 $0x1, s2  }
0x7: {  	s21 =	simm.s32 $0x1;
	[smem:$0x7FF] =	sst s4;
	s30 =	ssub.s32 $0x2, s2  }
0x8: {  	s6 =	sshll.u32 s6, $0xA;
	s2 =	sshll.u32 s2, $0x9;
	s5 =	sshrl.u32 s30, $0x1  }
0x9: {  	s9 =	sadd.s32 $0x400, s1;
	s2 =	sor.u32 s2, s6;
	s31 =	ssub.s32 s30, s5  }
0xa: {  	_ =	strace $0x80000047;
	[dreg:$0x8] =	wrdreg s2;
	s1 =	smax.u32 s31, $0x1  }
0xb: {  	s28 =	simm.s32 $0x0;
	s2 =	simm.s32 $0x0;
	[dreg:$0x9] =	wrdreg s1  }
.LBB2_1:
0xc: {  	[dreg:$0xa] =	wrdreg s2  }
0xd: {  	s1 =	rddreg [dreg:$0x3];
	s26 =	simm.s32 $0x0  }
0xe: {  	[tilespmem:s26], [sflag:$0x2] =	stream.linear.gather [hbm4b:s1+s26], $0x680, $0x38;
	[tilespmem:$0x9E00] =	vst v63  }
0xf: {  	_ =	swait.ge [sflag:s12], $0x680  }
0x10: {  	[sflag:s12] =	ssyncset.done $0x0  }
0x11: {  	[sflag:s12] =	ssyncadd.s32 $0xFFFFF980  }
0x12: {  	s4 =	simm.s32 $0x800;
	s29 =	rddreg [dreg:$0x4]  }
0x13: {  	[tilespmem:s4], [sflag:$0x2] =	stream.linear.gather [hbm4b:s29+s26], $0x1380, $0x38;
	[tilespmem:$0x9E00] =	vst v63  }
0x14: {  	_ =	swait.ge [sflag:s12], $0x1380  }
0x15: {  	[sflag:s12] =	ssyncset.done $0x0  }
0x16: {  	[sflag:s12] =	ssyncadd.s32 $0xFFFFEC80  }
0x17: {  	s31 =	simm.s32 $0x1C00;
	s30 =	rddreg [dreg:$0x5]  }
0x18: {  	[tilespmem:s31], [sflag:$0x2] =	stream.linear.gather [hbm4b:s30+s26], $0x80, $0x38;
	[tilespmem:$0x9E00] =	vst v63  }
0x19: {  	_ =	swait.ge [sflag:s12], $0x80  }
0x1a: {  	[sflag:s12] =	ssyncset.done $0x0  }
0x1b: {  	s23 =	simm.s32 $0x0;
	[sflag:s12] =	ssyncadd.s32 $0xFFFFFF80  }
.LBB2_2:
0x1c: {  	s1 =	sshll.u32 s23, $0x7;
	s2 =	rddreg [dreg:$0x8]  }
0x1d: {  	s29 =	simm.s32 $0x0;
	s1 =	sadd.s32 s2, s1  }
0x1e: {  	s26 =	sshll.u32 s1, $0x3;
	[dreg:$0xb] =	wrdreg s1;
	s25 =	smul.u32 $0x1400, s1  }
.LBB2_3:
0x1f: {  	s30 =	sshrl.u32 s29, $0x3  }
0x20: {  	s1 =	sshll.u32 s29, $0x7;
	s2 =	sshll.u32 s30, $0x11  }
0x21: {  	s31 =	sand.u32 $0x380, s1;
	s2 =	sadd.s32 s26, s2  }
0x22: {  	s2 =	sor.u32 s31, s2  }
0x23: {  	s2 =	sshrl.u32 s2, $0x3  }
0x24: {  	s2 =	sadd.s32 s0, s2  }
0x25: {  	[tilespmem:s15], [sflag:$0x2] =	stream.linear.gather [hbm4b:s2+s28], $0x80, $0x38;
	[tilespmem:$0x9E00] =	vst v63  }
0x26: {  	_ =	swait.ge [sflag:s12], $0x80  }
0x27: {  	[sflag:s12] =	ssyncset.done $0x0  }
0x28: {  	s24 =	simm.s32 $0x0;
	[sflag:s12] =	ssyncadd.s32 $0xFFFFFF80  }
0x29: {  	v0 =	vld.msk [tilespmem:s24+$0x1C80 ss:$0x0], $0xffff  }
0x2a: {  	v1 =	vld [tilespmem:s1+$0x0];
	_ =	sdelay $0x1  }
0x2b: {  	v2 =	vld [tilespmem:s1+$0x800];
	_ =	sdelay $0x2  }
0x2c: {  	v1 =	vmul.f32 v1, v0;
	_ =	sdelay $0x1  }
0x2d: {  	v1 =	vadd.f32 v2, v1  }
0x2e: {  	s5 =	simm.s32 $0x5E40  }
0x2f: {  	s8 =	sor.u32 $0x10, s1;
	[tilespmem:s5+$0xFFFFFFC0] =	vst v1  }
0x30: {  	v1 =	vld [tilespmem:s8+$0x0];
	_ =	sdelay $0x1  }
0x31: {  	v2 =	vld [tilespmem:s1+$0x810];
	_ =	sdelay $0x2  }
0x32: {  	v1 =	vmul.f32 v1, v0;
	_ =	sdelay $0x1  }
0x33: {  	v1 =	vadd.f32 v2, v1;
	_ =	sdelay $0x1  }
0x34: {  	s4 =	sor.u32 $0x20, s1;
	[tilespmem:s5+$0xFFFFFFD0] =	vst v1  }
0x35: {  	v1 =	vld [tilespmem:s4+$0x0];
	_ =	sdelay $0x1  }
0x36: {  	v2 =	vld [tilespmem:s1+$0x820];
	_ =	sdelay $0x2  }
0x37: {  	v1 =	vmul.f32 v1, v0;
	_ =	sdelay $0x1  }
0x38: {  	v1 =	vadd.f32 v2, v1;
	_ =	sdelay $0x1  }
0x39: {  	s6 =	sor.u32 $0x30, s1;
	[tilespmem:s5+$0xFFFFFFE0] =	vst v1  }
0x3a: {  	v1 =	vld [tilespmem:s6+$0x0];
	_ =	sdelay $0x1  }
0x3b: {  	v2 =	vld [tilespmem:s1+$0x830];
	_ =	sdelay $0x2  }
0x3c: {  	v1 =	vmul.f32 v1, v0;
	_ =	sdelay $0x1  }
0x3d: {  	v1 =	vadd.f32 v2, v1;
	_ =	sdelay $0x1  }
0x3e: {  	s13 =	sor.u32 $0x40, s1;
	[tilespmem:s5+$0xFFFFFFF0] =	vst v1  }
0x3f: {  	v1 =	vld [tilespmem:s13+$0x0];
	_ =	sdelay $0x1  }
0x40: {  	v2 =	vld [tilespmem:s1+$0x840];
	_ =	sdelay $0x2  }
0x41: {  	v1 =	vmul.f32 v1, v0;
	_ =	sdelay $0x1  }
0x42: {  	v1 =	vadd.f32 v2, v1;
	_ =	sdelay $0x1  }
0x43: {  	s14 =	sor.u32 $0x50, s1;
	[tilespmem:s5+$0x0] =	vst v1  }
0x44: {  	v1 =	vld [tilespmem:s14+$0x0];
	_ =	sdelay $0x1  }
0x45: {  	v2 =	vld [tilespmem:s1+$0x850];
	_ =	sdelay $0x2  }
0x46: {  	v1 =	vmul.f32 v1, v0;
	_ =	sdelay $0x1  }
0x47: {  	v1 =	vadd.f32 v2, v1;
	_ =	sdelay $0x1  }
0x48: {  	s11 =	sor.u32 $0x60, s1;
	[tilespmem:s5+$0x10] =	vst v1  }
0x49: {  	v1 =	vld [tilespmem:s11+$0x0];
	_ =	sdelay $0x1  }
0x4a: {  	v2 =	vld [tilespmem:s1+$0x860];
	_ =	sdelay $0x2  }
0x4b: {  	v1 =	vmul.f32 v1, v0;
	_ =	sdelay $0x1  }
0x4c: {  	v1 =	vadd.f32 v2, v1;
	_ =	sdelay $0x1  }
0x4d: {  	s7 =	sor.u32 $0x70, s1;
	[tilespmem:s5+$0x20] =	vst v1  }
0x4e: {  	v1 =	vld [tilespmem:s7+$0x0];
	_ =	sdelay $0x1  }
0x4f: {  	v2 =	vld [tilespmem:s1+$0x870];
	_ =	sdelay $0x2  }
0x50: {  	v0 =	vmul.f32 v1, v0;
	_ =	sdelay $0x1  }
0x51: {  	s22 =	simm.s32 $0x4;
	s2 =	simm.s32 $0x8;
	v0 =	vadd.f32 v2, v0  }
.LBB2_4:
0x52: {  	s24 =	sshra.s32 s22, $0x2  }
0x53: {  	s22 =	smov.u32 s2;
	s10 =	sadd.s32 $0x4, s2;
	[tilespmem:s5+$0x30] =	vst v0;
	s5 =	sadd.s32 $0x80, s5  }
0x54: {  	p0 =	sne.s32 s2, $0x1FC;
	v0 =	vld.msk [tilespmem:s24+$0x1C80 ss:$0x0], $0xffff  }
0x55: {  	v1 =	vld [tilespmem:s1+$0x0];
	_ =	sdelay $0x1  }
0x56: {  	v2 =	vld [tilespmem:s1+$0x800];
	_ =	sdelay $0x2  }
0x57: {  	v1 =	vmul.f32 v1, v0;
	_ =	sdelay $0x1  }
0x58: {  	v1 =	vadd.f32 v2, v1;
	_ =	sdelay $0x1  }
0x59: {  	[tilespmem:s5+$0xFFFFFFC0] =	vst v1  }
0x5a: {  	v1 =	vld [tilespmem:s8+$0x0];
	_ =	sdelay $0x1  }
0x5b: {  	v2 =	vld [tilespmem:s1+$0x810];
	_ =	sdelay $0x2  }
0x5c: {  	v1 =	vmul.f32 v1, v0;
	_ =	sdelay $0x1  }
0x5d: {  	v1 =	vadd.f32 v2, v1;
	_ =	sdelay $0x1  }
0x5e: {  	[tilespmem:s5+$0xFFFFFFD0] =	vst v1  }
0x5f: {  	v1 =	vld [tilespmem:s4+$0x0];
	_ =	sdelay $0x1  }
0x60: {  	v2 =	vld [tilespmem:s1+$0x820];
	_ =	sdelay $0x2  }
0x61: {  	v1 =	vmul.f32 v1, v0;
	_ =	sdelay $0x1  }
0x62: {  	v1 =	vadd.f32 v2, v1;
	_ =	sdelay $0x1  }
0x63: {  	[tilespmem:s5+$0xFFFFFFE0] =	vst v1  }
0x64: {  	v1 =	vld [tilespmem:s6+$0x0];
	_ =	sdelay $0x1  }
0x65: {  	v2 =	vld [tilespmem:s1+$0x830];
	_ =	sdelay $0x2  }
0x66: {  	v1 =	vmul.f32 v1, v0;
	_ =	sdelay $0x1  }
0x67: {  	v1 =	vadd.f32 v2, v1;
	_ =	sdelay $0x1  }
0x68: {  	[tilespmem:s5+$0xFFFFFFF0] =	vst v1  }
0x69: {  	v1 =	vld [tilespmem:s13+$0x0];
	_ =	sdelay $0x1  }
0x6a: {  	v2 =	vld [tilespmem:s1+$0x840];
	_ =	sdelay $0x2  }
0x6b: {  	v1 =	vmul.f32 v1, v0;
	_ =	sdelay $0x1  }
0x6c: {  	v1 =	vadd.f32 v2, v1;
	_ =	sdelay $0x1  }
0x6d: {  	[tilespmem:s5+$0x0] =	vst v1  }
0x6e: {  	v1 =	vld [tilespmem:s14+$0x0]  }
0x6f: {  	v2 =	vld [tilespmem:s1+$0x850];
	_ =	sdelay $0x3  }
0x70: {  	v1 =	vmul.f32 v1, v0;
	_ =	sdelay $0x1  }
0x71: {  	v1 =	vadd.f32 v2, v1;
	_ =	sdelay $0x1  }
0x72: {  	[tilespmem:s5+$0x10] =	vst v1  }
0x73: {  	v1 =	vld [tilespmem:s11+$0x0]  }
0x74: {  	v2 =	vld [tilespmem:s1+$0x860];
	_ =	sdelay $0x3  }
0x75: {  	v1 =	vmul.f32 v1, v0;
	_ =	sdelay $0x1  }
0x76: {  	v1 =	vadd.f32 v2, v1;
	_ =	sdelay $0x1  }
0x77: {  	[tilespmem:s5+$0x20] =	vst v1  }
0x78: {  	v1 =	vld [tilespmem:s7+$0x0]  }
0x79: {  	v2 =	vld [tilespmem:s1+$0x870];
	_ =	sdelay $0x1  }
.Ltmp0:
0x7a: {  	(pc) =	sbr.rel @p0 .LBB2_4-.Ltmp0, $3  }
0x7b: {  	_ = 	snop  }
0x7c: {  	v0 =	vmul.f32 v1, v0;
	_ =	sdelay $0x1  }
0x7d: {  	s2 =	smov.u32 s10;
	v0 =	vadd.f32 v2, v0  }
0x7e: {  	_ = 	snop  }
0x7f: {  	s2 =	sshra.s32 s22, $0x2;
	[tilespmem:s5+$0x30] =	vst v0  }
0x80: {  	v0 =	vld.msk [tilespmem:s2+$0x1C80 ss:$0x0], $0xffff  }
0x81: {  	v1 =	vld [tilespmem:s1+$0x0];
	_ =	sdelay $0x1  }
0x82: {  	v2 =	vld [tilespmem:s1+$0x800];
	_ =	sdelay $0x2  }
0x83: {  	v1 =	vmul.f32 v1, v0;
	_ =	sdelay $0x1  }
0x84: {  	v1 =	vadd.f32 v2, v1  }
0x85: {  	s24 =	sadd.s32 $0x80, s5  }
0x86: {  	[tilespmem:s24+$0xFFFFFFC0] =	vst v1  }
0x87: {  	v1 =	vld [tilespmem:s8+$0x0];
	_ =	sdelay $0x1  }
0x88: {  	v57 =	vld [tilespmem:s1+$0x810];
	_ =	sdelay $0x2  }
0x89: {  	v1 =	vmul.f32 v1, v0;
	_ =	sdelay $0x1  }
0x8a: {  	v1 =	vadd.f32 v57, v1;
	_ =	sdelay $0x1  }
0x8b: {  	[tilespmem:s24+$0xFFFFFFD0] =	vst v1  }
0x8c: {  	v1 =	vld [tilespmem:s4+$0x0];
	_ =	sdelay $0x1  }
0x8d: {  	v58 =	vld [tilespmem:s1+$0x820];
	_ =	sdelay $0x2  }
0x8e: {  	v1 =	vmul.f32 v1, v0;
	_ =	sdelay $0x1  }
0x8f: {  	v1 =	vadd.f32 v58, v1;
	_ =	sdelay $0x1  }
0x90: {  	[tilespmem:s24+$0xFFFFFFE0] =	vst v1  }
0x91: {  	v1 =	vld [tilespmem:s6+$0x0];
	_ =	sdelay $0x1  }
0x92: {  	v59 =	vld [tilespmem:s1+$0x830];
	_ =	sdelay $0x2  }
0x93: {  	v1 =	vmul.f32 v1, v0;
	_ =	sdelay $0x1  }
0x94: {  	v1 =	vadd.f32 v59, v1;
	_ =	sdelay $0x1  }
0x95: {  	[tilespmem:s24+$0xFFFFFFF0] =	vst v1  }
0x96: {  	v1 =	vld [tilespmem:s13+$0x0];
	_ =	sdelay $0x1  }
0x97: {  	v60 =	vld [tilespmem:s1+$0x840];
	_ =	sdelay $0x2  }
0x98: {  	v1 =	vmul.f32 v1, v0;
	_ =	sdelay $0x1  }
0x99: {  	v1 =	vadd.f32 v60, v1;
	_ =	sdelay $0x1  }
0x9a: {  	[tilespmem:s24+$0x0] =	vst v1  }
0x9b: {  	v1 =	vld [tilespmem:s14+$0x0];
	_ =	sdelay $0x1  }
0x9c: {  	v61 =	vld [tilespmem:s1+$0x850];
	_ =	sdelay $0x2  }
0x9d: {  	v1 =	vmul.f32 v1, v0;
	_ =	sdelay $0x1  }
0x9e: {  	v1 =	vadd.f32 v61, v1;
	_ =	sdelay $0x1  }
0x9f: {  	[tilespmem:s24+$0x10] =	vst v1  }
0xa0: {  	v1 =	vld [tilespmem:s11+$0x0];
	_ =	sdelay $0x1  }
0xa1: {  	v62 =	vld [tilespmem:s1+$0x860];
	_ =	sdelay $0x2  }
0xa2: {  	v1 =	vmul.f32 v1, v0;
	_ =	sdelay $0x1  }
0xa3: {  	v1 =	vadd.f32 v62, v1;
	_ =	sdelay $0x1  }
0xa4: {  	[tilespmem:s24+$0x20] =	vst v1  }
0xa5: {  	v1 =	vld [tilespmem:s7+$0x0];
	_ =	sdelay $0x1  }
0xa6: {  	v63 =	vld [tilespmem:s1+$0x870];
	_ =	sdelay $0x2  }
0xa7: {  	s30 =	sshll.u32 s30, $0xA;
	v0 =	vmul.f32 v1, v0  }
0xa8: {  	s1 =	sadd.s32 s25, s30  }
0xa9: {  	s29 =	sadd.s32 $0x1, s29;
	s1 =	sor.u32 s31, s1;
	v0 =	vadd.f32 v63, v0  }
0xaa: {  	p0 =	seq.s32 s29, $0xD;
	s1 =	sshrl.u32 s1, $0x3  }
.Ltmp1:
0xab: {  	s1 =	sadd.s32 s9, s1;
	[tilespmem:s24+$0x30] =	vst v0;
	(pc) =	sbr.rel @!p0 .LBB2_3-.Ltmp1, $4  }
0xac: {  	[hbm4b:s1+s16] =	stream.strided.scatter [tilespmem:s18], [sflag:$0x2], $0x4000, s17, s16, $0x38;
	[tilespmem:$0x9E00] =	vst v63  }
0xad: {  	_ =	swait.ge [sflag:s12], $0x4000  }
0xae: {  	[sflag:s12] =	ssyncset.done $0x0  }
0xaf: {  	[sflag:s12] =	ssyncadd.s32 $0xFFFFC000  }
0xb0: {  	s1 =	rddreg [dreg:$0x1]  }
0xb1: {  	s2 =	rddreg [dreg:$0xb];
	s24 =	sor.u32 $0x680, s25  }
0xb2: {  	s25 =	simm.s32 $0x0;
	s26 =	simm.s32 $0x0;
	s1 =	sadd.s32 s1, s2  }
.LBB2_7:
0xb3: {  	s2 =	sshll.u32 s26, $0xB;
	s4 =	sshll.u32 s26, $0x4  }
0xb4: {  	s2 =	sand.u32 $0xC000, s2;
	s4 =	sand.u32 $0x70, s4  }
0xb5: {  	s2 =	sor.u32 s4, s2  }
0xb6: {  	s2 =	sadd.s32 s2, s1  }
0xb7: {  	[tilespmem:s19], [sflag:$0x2] =	stream.linear.gather [hbm4b:s2+s25], $0x80, $0x38;
	[tilespmem:$0x9E00] =	vst v63  }
0xb8: {  	_ =	swait.ge [sflag:s12], $0x80  }
0xb9: {  	[sflag:s12] =	ssyncset.done $0x0  }
0xba: {  	[sflag:s12] =	ssyncadd.s32 $0xFFFFFF80  }
0xbb: {  	v0 =	vld [tilespmem:$0x1D80]  }
0xbc: {  	v1 =	vld.msk [tilespmem:s26+$0x1C00 ss:$0x0], $0xffff  }
0xbd: {  	v2 =	vld [tilespmem:$0x1D90]  }
0xbe: {  	v3 =	vld [tilespmem:$0x1DA0]  }
0xbf: {  	v4 =	vld [tilespmem:$0x1DB0]  }
0xc0: {  	v5 =	vld [tilespmem:$0x1DC0]  }
0xc1: {  	v6 =	vld [tilespmem:$0x1DD0];
	v0 =	vadd.s32 v1, v0  }
0xc2: {  	[tilespmem:$0x1D80] =	vst v0;
	v0 =	vadd.s32 v1, v2;
	v2 =	vld [tilespmem:$0x1DE0]  }
0xc3: {  	[tilespmem:$0x1D90] =	vst v0;
	v0 =	vadd.s32 v1, v3;
	v3 =	vld [tilespmem:$0x1DF0]  }
0xc4: {  	[tilespmem:$0x1DA0] =	vst v0;
	v0 =	vadd.s32 v1, v4  }
0xc5: {  	[tilespmem:$0x1DB0] =	vst v0;
	v0 =	vadd.s32 v1, v5  }
0xc6: {  	[tilespmem:$0x1DC0] =	vst v0;
	v0 =	vadd.s32 v1, v6  }
0xc7: {  	[tilespmem:$0x1DD0] =	vst v0;
	v0 =	vadd.s32 v1, v2  }
0xc8: {  	[tilespmem:$0x1DE0] =	vst v0;
	v0 =	vadd.s32 v1, v3  }
0xc9: {  	[tilespmem:$0x1DF0] =	vst v0  }
0xca: {  	[tilespmem:s20], [sflag:$0x1] =	stream.indirect.gather [hbm4b:s3+s16], $0x80, s19, s16, $0xb8;
	[tilespmem:$0x9E00] =	vst v63  }
0xcb: {  	_ =	swait.ge [sflag:s21], $0x4000  }
0xcc: {  	[sflag:s21] =	ssyncset.done $0x0  }
0xcd: {  	s5 =	sshll.u32 s26, $0x7;
	s4 =	simm.s32 $0x0;
	[sflag:s21] =	ssyncadd.s32 $0xFFFFC000  }
0xce: {  	s6 =	sand.u32 $0x3FFFFF80, s5;
	s2 =	simm.s32 $0x200;
	v0 =	vld [tilespmem:s4+$0x1E00]  }
.LBB2_8:
0xcf: {  	p0 =	sne.s32 s2, $0xFE00;
	v1 =	vld [tilespmem:s6+$0xE80];
	_ =	sdelay $0x4  }
0xd0: {  	v0 =	vadd.f32 v1, v0;
	_ =	sdelay $0x1  }
0xd1: {  	[tilespmem:s4+$0x5E00] =	vst v0;
	v0 =	vld [tilespmem:s4+$0x1E10]  }
0xd2: {  	v1 =	vld [tilespmem:s6+$0xE90];
	_ =	sdelay $0x4  }
0xd3: {  	v0 =	vadd.f32 v1, v0;
	_ =	sdelay $0x1  }
0xd4: {  	[tilespmem:s4+$0x5E10] =	vst v0;
	v0 =	vld [tilespmem:s4+$0x1E20]  }
0xd5: {  	v1 =	vld [tilespmem:s6+$0xEA0];
	_ =	sdelay $0x4  }
0xd6: {  	v0 =	vadd.f32 v1, v0;
	_ =	sdelay $0x1  }
0xd7: {  	[tilespmem:s4+$0x5E20] =	vst v0;
	v0 =	vld [tilespmem:s4+$0x1E30]  }
0xd8: {  	v1 =	vld [tilespmem:s6+$0xEB0];
	_ =	sdelay $0x4  }
0xd9: {  	v0 =	vadd.f32 v1, v0;
	_ =	sdelay $0x1  }
0xda: {  	[tilespmem:s4+$0x5E30] =	vst v0;
	v0 =	vld [tilespmem:s4+$0x1E40]  }
0xdb: {  	v1 =	vld [tilespmem:s6+$0xEC0];
	_ =	sdelay $0x4  }
0xdc: {  	v0 =	vadd.f32 v1, v0;
	_ =	sdelay $0x1  }
0xdd: {  	[tilespmem:s4+$0x5E40] =	vst v0;
	v0 =	vld [tilespmem:s4+$0x1E50]  }
0xde: {  	v1 =	vld [tilespmem:s6+$0xED0];
	_ =	sdelay $0x4  }
0xdf: {  	v0 =	vadd.f32 v1, v0;
	_ =	sdelay $0x1  }
0xe0: {  	[tilespmem:s4+$0x5E50] =	vst v0;
	v0 =	vld [tilespmem:s4+$0x1E60]  }
0xe1: {  	v1 =	vld [tilespmem:s6+$0xEE0];
	_ =	sdelay $0x4  }
0xe2: {  	v0 =	vadd.f32 v1, v0;
	_ =	sdelay $0x1  }
0xe3: {  	[tilespmem:s4+$0x5E60] =	vst v0;
	v0 =	vld [tilespmem:s4+$0x1E70]  }
0xe4: {  	v1 =	vld [tilespmem:s6+$0xEF0];
	_ =	sdelay $0x2  }
.Ltmp2:
0xe5: {  	(pc) =	sbr.rel @p0 .LBB2_8-.Ltmp2, $4  }
0xe6: {  	_ = 	snop  }
0xe7: {  	v1 =	vadd.f32 v1, v0  }
0xe8: {  	s7 =	sshra.s32 s2, $0x2  }
0xe9: {  	s2 =	sadd.s32 $0x200, s2;
	v0 =	vld [tilespmem:s7+$0x1E00];
	[tilespmem:s4+$0x5E70] =	vst v1;
	s4 =	smov.u32 s7  }
0xea: {  	v1 =	vld [tilespmem:s6+$0xE80];
	_ =	sdelay $0x4  }
0xeb: {  	v0 =	vadd.f32 v1, v0;
	_ =	sdelay $0x1  }
0xec: {  	v50 =	vld [tilespmem:s4+$0x1E10];
	[tilespmem:s4+$0x5E00] =	vst v0  }
0xed: {  	v51 =	vld [tilespmem:s6+$0xE90];
	_ =	sdelay $0x4  }
0xee: {  	v0 =	vadd.f32 v51, v50;
	_ =	sdelay $0x1  }
0xef: {  	v52 =	vld [tilespmem:s4+$0x1E20];
	[tilespmem:s4+$0x5E10] =	vst v0  }
0xf0: {  	v53 =	vld [tilespmem:s6+$0xEA0];
	_ =	sdelay $0x4  }
0xf1: {  	v0 =	vadd.f32 v53, v52;
	_ =	sdelay $0x1  }
0xf2: {  	v54 =	vld [tilespmem:s4+$0x1E30];
	[tilespmem:s4+$0x5E20] =	vst v0  }
0xf3: {  	v55 =	vld [tilespmem:s6+$0xEB0];
	_ =	sdelay $0x4  }
0xf4: {  	v0 =	vadd.f32 v55, v54;
	_ =	sdelay $0x1  }
0xf5: {  	v56 =	vld [tilespmem:s4+$0x1E40];
	[tilespmem:s4+$0x5E30] =	vst v0  }
0xf6: {  	v57 =	vld [tilespmem:s6+$0xEC0];
	_ =	sdelay $0x4  }
0xf7: {  	v0 =	vadd.f32 v57, v56;
	_ =	sdelay $0x1  }
0xf8: {  	v58 =	vld [tilespmem:s4+$0x1E50];
	[tilespmem:s4+$0x5E40] =	vst v0  }
0xf9: {  	v59 =	vld [tilespmem:s6+$0xED0];
	_ =	sdelay $0x4  }
0xfa: {  	v0 =	vadd.f32 v59, v58;
	_ =	sdelay $0x1  }
0xfb: {  	v60 =	vld [tilespmem:s4+$0x1E60];
	[tilespmem:s4+$0x5E50] =	vst v0  }
0xfc: {  	v61 =	vld [tilespmem:s6+$0xEE0];
	_ =	sdelay $0x4  }
0xfd: {  	v0 =	vadd.f32 v61, v60;
	_ =	sdelay $0x1  }
0xfe: {  	v62 =	vld [tilespmem:s4+$0x1E70];
	[tilespmem:s4+$0x5E60] =	vst v0  }
0xff: {  	v63 =	vld [tilespmem:s6+$0xEF0];
	_ =	sdelay $0x4  }
0x100: {  	s2 =	sadd.s32 s24, s5;
	s26 =	sadd.s32 $0x1, s26;
	v0 =	vadd.f32 v63, v62  }
0x101: {  	s2 =	sshrl.u32 s2, $0x3;
	p0 =	sne.s32 s26, $0x1A  }
.Ltmp3:
0x102: {  	s2 =	sadd.s32 s9, s2;
	[tilespmem:s4+$0x5E70] =	vst v0;
	(pc) =	sbr.rel @p0 .LBB2_7-.Ltmp3, $4  }
0x103: {  	[hbm4b:s2+s16] =	stream.strided.scatter [tilespmem:s18], [sflag:$0x2], $0x4000, s17, s16, $0x38;
	[tilespmem:$0x9E00] =	vst v63  }
0x104: {  	_ =	swait.ge [sflag:s12], $0x4000  }
0x105: {  	[sflag:s12] =	ssyncset.done $0x0  }
0x106: {  	[sflag:s12] =	ssyncadd.s32 $0xFFFFC000  }
0x107: {  	s23 =	sadd.s32 $0x1, s23  }
0x108: {  	p0 =	sne.s32 s23, $0x4  }
.Ltmp4:
0x109: {  	_ = 	snop;
	(pc) =	sbr.rel @p0 .LBB2_2-.Ltmp4, $1  }
0x10a: {  	_ =	sdelay $0x3  }
0x10b: {  	s2 =	rddreg [dreg:$0xa]  }
0x10c: {  	s1 =	rddreg [dreg:$0x9];
	s2 =	sadd.s32 $0x1, s2  }
0x10d: {  	p0 =	sne.s32 s2, s1  }
.Ltmp5:
0x10e: {  	_ = 	snop;
	(pc) =	sbr.rel @p0 .LBB2_1-.Ltmp5, $1  }
0x10f: {  	_ =	sdelay $0x3  }
0x110: {  	_ =	sfence.sel $0x180000  }
0x111: {  	[bflag:$0x0] =	sbarrier.arrive $0xFFFF  }
0x112: {  	_ =	strace $0x90000047  }
0x113: {  	s0 =	stileid.u32;
	[bflag:$0x2] =	sbarrier.arrive $0xFFFF  }
0x114: {  	p0 =	sne.s32 s0, $0x0;
	s0 =	rddreg [dreg:$0x7]  }
0x115: {  	s0 =	sadd.s32 @!p0 $0x100000, s0  }
0x116: {  	[sflag:s0] =	ssyncadd.tile.s32 @!p0 $0x1;
	_ =	shalt  }
.Lfunc_end2:
_tile_overlayer_lowered:
.L_overlay_start_2:
0x117: {  	(tag) =	ssettag $0x2  }
0x118: {  	s0 =	rddreg [dreg:$0x0];
	s2 =	stileid.u32  }
0x119: {  	s1 =	rddreg [dreg:$0x1];
	p0 =	sne.s32 s2, $0x0  }
0x11a: {  	s3 =	rddreg [dreg:$0x2];
	[bflag:$0x3] =	sbarrier.arrive $0xFFFF;
	s2 =	simm.s32 @!p0 $0x1C02  }
0x11b: {  	[timem:s3], [sflag:s2] =	dma.local @!p0 [hbm:s0], s1  }
0x11c: {  	s0 =	simm.s32 @!p0 $0x2  }
0x11d: {  	_ =	swait.ge @!p0 [sflag:s0], s1  }
0x11e: {  	s1 =	ssub.s32 @!p0 $0x0, s1;
	[sflag:s0] =	ssyncset.done @!p0 $0x0  }
0x11f: {  	[sflag:s0] =	ssyncadd.s32 @!p0 s1  }
0x120: {  	[bflag:$0x3] =	sbarrier.arrive $0xFFFF  }
0x121: {  	_ =	shalt  }

</sc_bundles>
